<compile_context>
chip_gen: v7x
topology: tpu7x:2x2x1
jax: 0.10.2.dev20260603
libtpu: 0.0.44.dev20260713+nightly
codegen_flags: <defaults>
</compile_context>

<pallas_src>
import functools

import jax
import jax.numpy as jnp
from jax import lax
from jax.experimental import pallas as pl
from jax.experimental.pallas import tpu as pltpu
from jax.experimental.pallas import tpu_sc as plsc

NUM_POSITIONS = 8192
EMBED_DIM = 2048
BATCH = 4
SEQ_LEN = 8192
N_ROWS = BATCH * SEQ_LEN

_INFO = plsc.get_sparse_core_info()
_NC = _INFO.num_cores
_NS = _INFO.num_subcores
_NW = _NC * _NS
_PW = N_ROWS // _NW

_C = 8
_GC = 2
_R = 3
_GROWS = _GC * _C
_NGRP = _PW // _GROWS
_NCH = _GC * _R


def _make_embed_kernel():
  mesh = plsc.VectorSubcoreMesh(core_axis_name="c", subcore_axis_name="s")
  scratch = [
      pltpu.VMEM((_PW,), jnp.int32),
      pltpu.VMEM((_R * _GROWS, EMBED_DIM), jnp.float32),
  ]
  scratch += [pltpu.SemaphoreType.DMA for _ in range(_NCH + _R)]

  @functools.partial(
      pl.kernel,
      mesh=mesh,
      out_type=jax.ShapeDtypeStruct((N_ROWS, EMBED_DIM), jnp.float32),
      scratch_types=scratch,
      compiler_params=pltpu.CompilerParams(use_tc_tiling_on_sc=True),
  )
  def embed(x_hbm, w_hbm, out_hbm, idx_v, big, *sems):
    gsems = sems[:_NCH]
    ssems = sems[_NCH:]

    wid = lax.axis_index("s") * _NC + lax.axis_index("c")
    base = wid * _PW
    pltpu.sync_copy(x_hbm.at[pl.ds(base, _PW)], idx_v)

    def gathers(slot, grp):
      def one(j):
        return pltpu.make_async_copy(
            w_hbm.at[idx_v.at[pl.ds((grp * _GC + j) * _C, _C)]],
            big.at[pl.ds((slot * _GC + j) * _C, _C)],
            gsems[slot * _GC + j])
      return [one(j) for j in range(_GC)]

    def scatter(slot, grp):
      return pltpu.make_async_copy(
          big.at[pl.ds(slot * _GROWS, _GROWS)],
          out_hbm.at[pl.ds(base + grp * _GROWS, _GROWS)],
          ssems[slot])

    for g in range(_R):
      for c in gathers(g, g):
        c.start()

    def body(i, carry):
      for r in range(_R):
        for c in gathers(r, i + r):
          c.wait()
        scatter(r, i + r).start()
      for r in range(_R):
        scatter(r, i + r).wait()
        for c in gathers(r, i + r + _R):
          c.start()
      return carry

    n_main = (_NGRP - _R) // _R
    lax.fori_loop(0, n_main, lambda i, c: body(i * _R, c), 0, unroll=False)

    done = n_main * _R
    for g in range(done, _NGRP):
      for c in gathers(g % _R, g):
        c.wait()
      scatter(g % _R, g).start()
      if g + _R < _NGRP:
        scatter(g % _R, g).wait()
        for c in gathers(g % _R, g + _R):
          c.start()
    for g in range(max(done, _NGRP - _R), _NGRP):
      scatter(g % _R, g).wait()

  return embed


_EMBED = _make_embed_kernel()


def kernel(x, weight):
  x_flat = x.reshape(N_ROWS).astype(jnp.int32)
  out = _EMBED(x_flat, weight)
  return out.reshape(BATCH, SEQ_LEN, EMBED_DIM)

# --- scband reference (transcript-rebuilt; emitter-appended) ---
"""Pipeline reference for scband-position-embedding-27650999451947 (READ-ONLY COPY).

The authoritative reference and input builder live on the scoring server;
editing this copy changes nothing except your own understanding.
"""

import jax, jax.numpy as jnp
import numpy as np

NUM_POSITIONS = 8192
EMBED_DIM = 2048
BATCH = 4
SEQ_LEN = 8192

def setup_inputs(seed: int = 0) -> dict:
    key = jax.random.key(seed)
    k_idx, k_w = jax.random.split(key)
    x = jax.random.randint(k_idx, (BATCH, SEQ_LEN), 0, NUM_POSITIONS, dtype=jnp.int64 if jax.config.read('jax_enable_x64') else jnp.int32)
    weight = jax.random.normal(k_w, (NUM_POSITIONS, EMBED_DIM), dtype=jnp.float32) * 0.02
    return {"x": x, "weight": weight}

def reference(x, weight):
    # F.embedding(x, weight) -> gather rows of weight by index
    return jnp.take(weight, x, axis=0)

if __name__ == "__main__":
    import jax
    _d = setup_inputs()
    print(jax.jit(kernel)(*tuple(_d.values())))

</pallas_src>

<mosaic_0001>
#map = affine_map<(d0, d1) -> (0)>
#map1 = affine_map<(d0, d1) -> (0, 0)>
module attributes {stable_mosaic.version = 14 : i64} {
  func.func @embed(%arg0: i32, %arg1: i32, %arg2: memref<32768xi32, #tpu.memory_space<hbm>>, %arg3: memref<8192x2048xf32, #tpu.memory_space<hbm>>, %arg4: memref<32768x2048xf32, #tpu.memory_space<hbm>>, %arg5: memref<1024xi32, #tpu.memory_space<vmem>>, %arg6: memref<48x2048xf32, #tpu.memory_space<vmem>>, %arg7: memref<!tpu.dma_semaphore, #tpu.memory_space<semaphore_mem>>, %arg8: memref<!tpu.dma_semaphore, #tpu.memory_space<semaphore_mem>>, %arg9: memref<!tpu.dma_semaphore, #tpu.memory_space<semaphore_mem>>, %arg10: memref<!tpu.dma_semaphore, #tpu.memory_space<semaphore_mem>>, %arg11: memref<!tpu.dma_semaphore, #tpu.memory_space<semaphore_mem>>, %arg12: memref<!tpu.dma_semaphore, #tpu.memory_space<semaphore_mem>>, %arg13: memref<!tpu.dma_semaphore, #tpu.memory_space<semaphore_mem>>, %arg14: memref<!tpu.dma_semaphore, #tpu.memory_space<semaphore_mem>>, %arg15: memref<!tpu.dma_semaphore, #tpu.memory_space<semaphore_mem>>) attributes {dimension_semantics = [#tpu.dimension_semantics<core_parallel>, #tpu.dimension_semantics<subcore_parallel>], iteration_bounds = array<i64: 2, 16>, scalar_prefetch = 0 : i64, scratch_operands = 11 : i64, tpu.core_type = #tpu.core_type<sc_vector_subcore>, window_params = [{transform_indices = #map}, {transform_indices = #map1}, {transform_indices = #map1}]} {
    %mul3A = arith.constant 2 : i32
    %mul3A_0 = arith.muli %arg1, %mul3A : i32
    %add3A = arith.addi %mul3A_0, %arg0 : i32
    %mul3A_1 = arith.constant 1024 : i32
    %mul3A_2 = arith.muli %add3A, %mul3A_1 : i32
    "tpu.region"() ({
      %run_scoped3A = tpu.sem_alloc : memref<!tpu.dma_semaphore, #tpu.memory_space<semaphore_mem>>
      %dma_start3A_230 = tpu.memref_slice %arg2[%mul3A_2] : memref<32768xi32, #tpu.memory_space<hbm>> -> memref<1024xi32, #tpu.memory_space<hbm>>
      %dma_start3A_231 = tpu.memref_slice %arg2[%mul3A_2] : memref<32768xi32, #tpu.memory_space<hbm>> -> memref<1024xi32, #tpu.memory_space<hbm>>
      tpu.enqueue_dma source(%dma_start3A_231 : memref<1024xi32, #tpu.memory_space<hbm>>) target(%arg5 : memref<1024xi32, #tpu.memory_space<vmem>>) target_semaphore(%run_scoped3A : memref<!tpu.dma_semaphore, #tpu.memory_space<semaphore_mem>>)
      %dma_wait3A_232 = tpu.memref_slice %arg2[%mul3A_2] : memref<32768xi32, #tpu.memory_space<hbm>> -> memref<1024xi32, #tpu.memory_space<hbm>>
      %dma_wait3A_233 = tpu.memref_slice %arg2[%mul3A_2] : memref<32768xi32, #tpu.memory_space<hbm>> -> memref<1024xi32, #tpu.memory_space<hbm>>
      tpu.wait_dma2 semaphore(%run_scoped3A : memref<!tpu.dma_semaphore, #tpu.memory_space<semaphore_mem>>) src(%dma_wait3A_233 : memref<1024xi32, #tpu.memory_space<hbm>>) dst(%arg5 : memref<1024xi32, #tpu.memory_space<vmem>>)
      tpu.yield
    }) : () -> ()
    %dma_start3A = arith.constant 0 : i32
    %dma_start3A_3 = arith.constant 0 : i32
    %dma_start3A_4 = tpu.memref_slice %arg6[%dma_start3A, %dma_start3A_3] : memref<48x2048xf32, #tpu.memory_space<vmem>> -> memref<8x2048xf32, #tpu.memory_space<vmem>>
    %dma_start3A_5 = arith.constant 0 : i32
    %dma_start3A_6 = tpu.memref_slice %arg5[%dma_start3A_5] : memref<1024xi32, #tpu.memory_space<vmem>> -> memref<8xi32, #tpu.memory_space<vmem>>
    %dma_start3A_7 = arith.constant 0 : i32
    %dma_start3A_8 = arith.constant 0 : i32
    %dma_start3A_9 = tpu.memref_slice %arg3[%dma_start3A_7, %dma_start3A_8] : memref<8192x2048xf32, #tpu.memory_space<hbm>> -> memref<8192x2048xf32, #tpu.memory_space<hbm>>
    tpu.enqueue_indirect_dma source(%dma_start3A_9 : memref<8192x2048xf32, #tpu.memory_space<hbm>>) target(%dma_start3A_4 : memref<8x2048xf32, #tpu.memory_space<vmem>>) offsets(%dma_start3A_6 : memref<8xi32, #tpu.memory_space<vmem>>) semaphore(%arg7 : memref<!tpu.dma_semaphore, #tpu.memory_space<semaphore_mem>>)
    %dma_start3A_10 = arith.constant 8 : i32
    %dma_start3A_11 = arith.constant 0 : i32
    %dma_start3A_12 = tpu.memref_slice %arg6[%dma_start3A_10, %dma_start3A_11] : memref<48x2048xf32, #tpu.memory_space<vmem>> -> memref<8x2048xf32, #tpu.memory_space<vmem>>
    %dma_start3A_13 = arith.constant 8 : i32
    %dma_start3A_14 = tpu.memref_slice %arg5[%dma_start3A_13] : memref<1024xi32, #tpu.memory_space<vmem>> -> memref<8xi32, #tpu.memory_space<vmem>>
    %dma_start3A_15 = arith.constant 0 : i32
    %dma_start3A_16 = arith.constant 0 : i32
    %dma_start3A_17 = tpu.memref_slice %arg3[%dma_start3A_15, %dma_start3A_16] : memref<8192x2048xf32, #tpu.memory_space<hbm>> -> memref<8192x2048xf32, #tpu.memory_space<hbm>>
    tpu.enqueue_indirect_dma source(%dma_start3A_17 : memref<8192x2048xf32, #tpu.memory_space<hbm>>) target(%dma_start3A_12 : memref<8x2048xf32, #tpu.memory_space<vmem>>) offsets(%dma_start3A_14 : memref<8xi32, #tpu.memory_space<vmem>>) semaphore(%arg8 : memref<!tpu.dma_semaphore, #tpu.memory_space<semaphore_mem>>)
    %dma_start3A_18 = arith.constant 16 : i32
    %dma_start3A_19 = arith.constant 0 : i32
    %dma_start3A_20 = tpu.memref_slice %arg6[%dma_start3A_18, %dma_start3A_19] : memref<48x2048xf32, #tpu.memory_space<vmem>> -> memref<8x2048xf32, #tpu.memory_space<vmem>>
    %dma_start3A_21 = arith.constant 16 : i32
    %dma_start3A_22 = tpu.memref_slice %arg5[%dma_start3A_21] : memref<1024xi32, #tpu.memory_space<vmem>> -> memref<8xi32, #tpu.memory_space<vmem>>
    %dma_start3A_23 = arith.constant 0 : i32
    %dma_start3A_24 = arith.constant 0 : i32
    %dma_start3A_25 = tpu.memref_slice %arg3[%dma_start3A_23, %dma_start3A_24] : memref<8192x2048xf32, #tpu.memory_space<hbm>> -> memref<8192x2048xf32, #tpu.memory_space<hbm>>
    tpu.enqueue_indirect_dma source(%dma_start3A_25 : memref<8192x2048xf32, #tpu.memory_space<hbm>>) target(%dma_start3A_20 : memref<8x2048xf32, #tpu.memory_space<vmem>>) offsets(%dma_start3A_22 : memref<8xi32, #tpu.memory_space<vmem>>) semaphore(%arg9 : memref<!tpu.dma_semaphore, #tpu.memory_space<semaphore_mem>>)
    %dma_start3A_26 = arith.constant 24 : i32
    %dma_start3A_27 = arith.constant 0 : i32
    %dma_start3A_28 = tpu.memref_slice %arg6[%dma_start3A_26, %dma_start3A_27] : memref<48x2048xf32, #tpu.memory_space<vmem>> -> memref<8x2048xf32, #tpu.memory_space<vmem>>
    %dma_start3A_29 = arith.constant 24 : i32
    %dma_start3A_30 = tpu.memref_slice %arg5[%dma_start3A_29] : memref<1024xi32, #tpu.memory_space<vmem>> -> memref<8xi32, #tpu.memory_space<vmem>>
    %dma_start3A_31 = arith.constant 0 : i32
    %dma_start3A_32 = arith.constant 0 : i32
    %dma_start3A_33 = tpu.memref_slice %arg3[%dma_start3A_31, %dma_start3A_32] : memref<8192x2048xf32, #tpu.memory_space<hbm>> -> memref<8192x2048xf32, #tpu.memory_space<hbm>>
    tpu.enqueue_indirect_dma source(%dma_start3A_33 : memref<8192x2048xf32, #tpu.memory_space<hbm>>) target(%dma_start3A_28 : memref<8x2048xf32, #tpu.memory_space<vmem>>) offsets(%dma_start3A_30 : memref<8xi32, #tpu.memory_space<vmem>>) semaphore(%arg10 : memref<!tpu.dma_semaphore, #tpu.memory_space<semaphore_mem>>)
    %dma_start3A_34 = arith.constant 32 : i32
    %dma_start3A_35 = arith.constant 0 : i32
    %dma_start3A_36 = tpu.memref_slice %arg6[%dma_start3A_34, %dma_start3A_35] : memref<48x2048xf32, #tpu.memory_space<vmem>> -> memref<8x2048xf32, #tpu.memory_space<vmem>>
    %dma_start3A_37 = arith.constant 32 : i32
    %dma_start3A_38 = tpu.memref_slice %arg5[%dma_start3A_37] : memref<1024xi32, #tpu.memory_space<vmem>> -> memref<8xi32, #tpu.memory_space<vmem>>
    %dma_start3A_39 = arith.constant 0 : i32
    %dma_start3A_40 = arith.constant 0 : i32
    %dma_start3A_41 = tpu.memref_slice %arg3[%dma_start3A_39, %dma_start3A_40] : memref<8192x2048xf32, #tpu.memory_space<hbm>> -> memref<8192x2048xf32, #tpu.memory_space<hbm>>
    tpu.enqueue_indirect_dma source(%dma_start3A_41 : memref<8192x2048xf32, #tpu.memory_space<hbm>>) target(%dma_start3A_36 : memref<8x2048xf32, #tpu.memory_space<vmem>>) offsets(%dma_start3A_38 : memref<8xi32, #tpu.memory_space<vmem>>) semaphore(%arg11 : memref<!tpu.dma_semaphore, #tpu.memory_space<semaphore_mem>>)
    %dma_start3A_42 = arith.constant 40 : i32
    %dma_start3A_43 = arith.constant 0 : i32
    %dma_start3A_44 = tpu.memref_slice %arg6[%dma_start3A_42, %dma_start3A_43] : memref<48x2048xf32, #tpu.memory_space<vmem>> -> memref<8x2048xf32, #tpu.memory_space<vmem>>
    %dma_start3A_45 = arith.constant 40 : i32
    %dma_start3A_46 = tpu.memref_slice %arg5[%dma_start3A_45] : memref<1024xi32, #tpu.memory_space<vmem>> -> memref<8xi32, #tpu.memory_space<vmem>>
    %dma_start3A_47 = arith.constant 0 : i32
    %dma_start3A_48 = arith.constant 0 : i32
    %dma_start3A_49 = tpu.memref_slice %arg3[%dma_start3A_47, %dma_start3A_48] : memref<8192x2048xf32, #tpu.memory_space<hbm>> -> memref<8192x2048xf32, #tpu.memory_space<hbm>>
    tpu.enqueue_indirect_dma source(%dma_start3A_49 : memref<8192x2048xf32, #tpu.memory_space<hbm>>) target(%dma_start3A_44 : memref<8x2048xf32, #tpu.memory_space<vmem>>) offsets(%dma_start3A_46 : memref<8xi32, #tpu.memory_space<vmem>>) semaphore(%arg12 : memref<!tpu.dma_semaphore, #tpu.memory_space<semaphore_mem>>)
    %scan3A = arith.constant 0 : i32
    %scan3A_50 = arith.constant 0 : i32
    %scan3A_51 = arith.constant 20 : i32
    %scan3A_52 = arith.addi %scan3A_50, %scan3A_51 : i32
    %scan3A_53 = arith.constant 1 : i32
    scf.for %scan3A_230 = %scan3A_50 to %scan3A_52 step %scan3A_53  : i32 {
      %mul3A_231 = arith.constant 3 : i32
      %mul3A_232 = arith.muli %scan3A_230, %mul3A_231 : i32
      %add3A_233 = arith.constant 0 : i32
      %add3A_234 = arith.addi %mul3A_232, %add3A_233 : i32
      %mul3A_235 = arith.constant 2 : i32
      %mul3A_236 = arith.muli %add3A_234, %mul3A_235 : i32
      %add3A_237 = arith.constant 0 : i32
      %add3A_238 = arith.addi %mul3A_236, %add3A_237 : i32
      %mul3A_239 = arith.constant 8 : i32
      %mul3A_240 = arith.muli %add3A_238, %mul3A_239 : i32
      %mul3A_241 = arith.constant 2 : i32
      %mul3A_242 = arith.muli %add3A_234, %mul3A_241 : i32
      %add3A_243 = arith.constant 1 : i32
      %add3A_244 = arith.addi %mul3A_242, %add3A_243 : i32
      %mul3A_245 = arith.constant 8 : i32
      %mul3A_246 = arith.muli %add3A_244, %mul3A_245 : i32
      %dma_wait3A_247 = arith.constant 0 : i32
      %dma_wait3A_248 = arith.constant 0 : i32
      %dma_wait3A_249 = tpu.memref_slice %arg6[%dma_wait3A_247, %dma_wait3A_248] : memref<48x2048xf32, #tpu.memory_space<vmem>> -> memref<8x2048xf32, #tpu.memory_space<vmem>>
      %dma_wait3A_250 = tpu.memref_slice %arg5[%mul3A_240] : memref<1024xi32, #tpu.memory_space<vmem>> -> memref<8xi32, #tpu.memory_space<vmem>>
      %dma_wait3A_251 = arith.constant 0 : i32
      %dma_wait3A_252 = arith.constant 0 : i32
      %dma_wait3A_253 = tpu.memref_slice %arg3[%dma_wait3A_251, %dma_wait3A_252] : memref<8192x2048xf32, #tpu.memory_space<hbm>> -> memref<8192x2048xf32, #tpu.memory_space<hbm>>
      tpu.wait_indirect_dma semaphore(%arg7 : memref<!tpu.dma_semaphore, #tpu.memory_space<semaphore_mem>>) src(%dma_wait3A_253 : memref<8192x2048xf32, #tpu.memory_space<hbm>>) dst(%dma_wait3A_249 : memref<8x2048xf32, #tpu.memory_space<vmem>>)
      %dma_wait3A_254 = arith.constant 8 : i32
      %dma_wait3A_255 = arith.constant 0 : i32
      %dma_wait3A_256 = tpu.memref_slice %arg6[%dma_wait3A_254, %dma_wait3A_255] : memref<48x2048xf32, #tpu.memory_space<vmem>> -> memref<8x2048xf32, #tpu.memory_space<vmem>>
      %dma_wait3A_257 = tpu.memref_slice %arg5[%mul3A_246] : memref<1024xi32, #tpu.memory_space<vmem>> -> memref<8xi32, #tpu.memory_space<vmem>>
      %dma_wait3A_258 = arith.constant 0 : i32
      %dma_wait3A_259 = arith.constant 0 : i32
      %dma_wait3A_260 = tpu.memref_slice %arg3[%dma_wait3A_258, %dma_wait3A_259] : memref<8192x2048xf32, #tpu.memory_space<hbm>> -> memref<8192x2048xf32, #tpu.memory_space<hbm>>
      tpu.wait_indirect_dma semaphore(%arg8 : memref<!tpu.dma_semaphore, #tpu.memory_space<semaphore_mem>>) src(%dma_wait3A_260 : memref<8192x2048xf32, #tpu.memory_space<hbm>>) dst(%dma_wait3A_256 : memref<8x2048xf32, #tpu.memory_space<vmem>>)
      %add3A_261 = arith.constant 0 : i32
      %add3A_262 = arith.addi %mul3A_232, %add3A_261 : i32
      %mul3A_263 = arith.constant 16 : i32
      %mul3A_264 = arith.muli %add3A_262, %mul3A_263 : i32
      %add3A_265 = arith.addi %mul3A_2, %mul3A_264 : i32
      %dma_start3A_266 = arith.constant 0 : i32
      %dma_start3A_267 = arith.constant 0 : i32
      %dma_start3A_268 = tpu.memref_slice %arg6[%dma_start3A_266, %dma_start3A_267] : memref<48x2048xf32, #tpu.memory_space<vmem>> -> memref<16x2048xf32, #tpu.memory_space<vmem>>
      %dma_start3A_269 = arith.constant 0 : i32
      %dma_start3A_270 = tpu.memref_slice %arg4[%add3A_265, %dma_start3A_269] : memref<32768x2048xf32, #tpu.memory_space<hbm>> -> memref<16x2048xf32, #tpu.memory_space<hbm>>
      %dma_start3A_271 = arith.constant 0 : i32
      %dma_start3A_272 = tpu.memref_slice %arg4[%add3A_265, %dma_start3A_271] : memref<32768x2048xf32, #tpu.memory_space<hbm>> -> memref<16x2048xf32, #tpu.memory_space<hbm>>
      %dma_start3A_273 = arith.constant 0 : i32
      %dma_start3A_274 = arith.constant 0 : i32
      %dma_start3A_275 = tpu.memref_slice %arg6[%dma_start3A_273, %dma_start3A_274] : memref<48x2048xf32, #tpu.memory_space<vmem>> -> memref<16x2048xf32, #tpu.memory_space<vmem>>
      tpu.enqueue_dma source(%dma_start3A_275 : memref<16x2048xf32, #tpu.memory_space<vmem>>) target(%dma_start3A_272 : memref<16x2048xf32, #tpu.memory_space<hbm>>) target_semaphore(%arg13 : memref<!tpu.dma_semaphore, #tpu.memory_space<semaphore_mem>>)
      %add3A_276 = arith.constant 1 : i32
      %add3A_277 = arith.addi %mul3A_232, %add3A_276 : i32
      %mul3A_278 = arith.constant 2 : i32
      %mul3A_279 = arith.muli %add3A_277, %mul3A_278 : i32
      %add3A_280 = arith.constant 0 : i32
      %add3A_281 = arith.addi %mul3A_279, %add3A_280 : i32
      %mul3A_282 = arith.constant 8 : i32
      %mul3A_283 = arith.muli %add3A_281, %mul3A_282 : i32
      %mul3A_284 = arith.constant 2 : i32
      %mul3A_285 = arith.muli %add3A_277, %mul3A_284 : i32
      %add3A_286 = arith.constant 1 : i32
      %add3A_287 = arith.addi %mul3A_285, %add3A_286 : i32
      %mul3A_288 = arith.constant 8 : i32
      %mul3A_289 = arith.muli %add3A_287, %mul3A_288 : i32
      %dma_wait3A_290 = arith.constant 16 : i32
      %dma_wait3A_291 = arith.constant 0 : i32
      %dma_wait3A_292 = tpu.memref_slice %arg6[%dma_wait3A_290, %dma_wait3A_291] : memref<48x2048xf32, #tpu.memory_space<vmem>> -> memref<8x2048xf32, #tpu.memory_space<vmem>>
      %dma_wait3A_293 = tpu.memref_slice %arg5[%mul3A_283] : memref<1024xi32, #tpu.memory_space<vmem>> -> memref<8xi32, #tpu.memory_space<vmem>>
      %dma_wait3A_294 = arith.constant 0 : i32
      %dma_wait3A_295 = arith.constant 0 : i32
      %dma_wait3A_296 = tpu.memref_slice %arg3[%dma_wait3A_294, %dma_wait3A_295] : memref<8192x2048xf32, #tpu.memory_space<hbm>> -> memref<8192x2048xf32, #tpu.memory_space<hbm>>
      tpu.wait_indirect_dma semaphore(%arg9 : memref<!tpu.dma_semaphore, #tpu.memory_space<semaphore_mem>>) src(%dma_wait3A_296 : memref<8192x2048xf32, #tpu.memory_space<hbm>>) dst(%dma_wait3A_292 : memref<8x2048xf32, #tpu.memory_space<vmem>>)
      %dma_wait3A_297 = arith.constant 24 : i32
      %dma_wait3A_298 = arith.constant 0 : i32
      %dma_wait3A_299 = tpu.memref_slice %arg6[%dma_wait3A_297, %dma_wait3A_298] : memref<48x2048xf32, #tpu.memory_space<vmem>> -> memref<8x2048xf32, #tpu.memory_space<vmem>>
      %dma_wait3A_300 = tpu.memref_slice %arg5[%mul3A_289] : memref<1024xi32, #tpu.memory_space<vmem>> -> memref<8xi32, #tpu.memory_space<vmem>>
      %dma_wait3A_301 = arith.constant 0 : i32
      %dma_wait3A_302 = arith.constant 0 : i32
      %dma_wait3A_303 = tpu.memref_slice %arg3[%dma_wait3A_301, %dma_wait3A_302] : memref<8192x2048xf32, #tpu.memory_space<hbm>> -> memref<8192x2048xf32, #tpu.memory_space<hbm>>
      tpu.wait_indirect_dma semaphore(%arg10 : memref<!tpu.dma_semaphore, #tpu.memory_space<semaphore_mem>>) src(%dma_wait3A_303 : memref<8192x2048xf32, #tpu.memory_space<hbm>>) dst(%dma_wait3A_299 : memref<8x2048xf32, #tpu.memory_space<vmem>>)
      %add3A_304 = arith.constant 1 : i32
      %add3A_305 = arith.addi %mul3A_232, %add3A_304 : i32
      %mul3A_306 = arith.constant 16 : i32
      %mul3A_307 = arith.muli %add3A_305, %mul3A_306 : i32
      %add3A_308 = arith.addi %mul3A_2, %mul3A_307 : i32
      %dma_start3A_309 = arith.constant 16 : i32
      %dma_start3A_310 = arith.constant 0 : i32
      %dma_start3A_311 = tpu.memref_slice %arg6[%dma_start3A_309, %dma_start3A_310] : memref<48x2048xf32, #tpu.memory_space<vmem>> -> memref<16x2048xf32, #tpu.memory_space<vmem>>
      %dma_start3A_312 = arith.constant 0 : i32
      %dma_start3A_313 = tpu.memref_slice %arg4[%add3A_308, %dma_start3A_312] : memref<32768x2048xf32, #tpu.memory_space<hbm>> -> memref<16x2048xf32, #tpu.memory_space<hbm>>
      %dma_start3A_314 = arith.constant 0 : i32
      %dma_start3A_315 = tpu.memref_slice %arg4[%add3A_308, %dma_start3A_314] : memref<32768x2048xf32, #tpu.memory_space<hbm>> -> memref<16x2048xf32, #tpu.memory_space<hbm>>
      %dma_start3A_316 = arith.constant 16 : i32
      %dma_start3A_317 = arith.constant 0 : i32
      %dma_start3A_318 = tpu.memref_slice %arg6[%dma_start3A_316, %dma_start3A_317] : memref<48x2048xf32, #tpu.memory_space<vmem>> -> memref<16x2048xf32, #tpu.memory_space<vmem>>
      tpu.enqueue_dma source(%dma_start3A_318 : memref<16x2048xf32, #tpu.memory_space<vmem>>) target(%dma_start3A_315 : memref<16x2048xf32, #tpu.memory_space<hbm>>) target_semaphore(%arg14 : memref<!tpu.dma_semaphore, #tpu.memory_space<semaphore_mem>>)
      %add3A_319 = arith.constant 2 : i32
      %add3A_320 = arith.addi %mul3A_232, %add3A_319 : i32
      %mul3A_321 = arith.constant 2 : i32
      %mul3A_322 = arith.muli %add3A_320, %mul3A_321 : i32
      %add3A_323 = arith.constant 0 : i32
      %add3A_324 = arith.addi %mul3A_322, %add3A_323 : i32
      %mul3A_325 = arith.constant 8 : i32
      %mul3A_326 = arith.muli %add3A_324, %mul3A_325 : i32
      %mul3A_327 = arith.constant 2 : i32
      %mul3A_328 = arith.muli %add3A_320, %mul3A_327 : i32
      %add3A_329 = arith.constant 1 : i32
      %add3A_330 = arith.addi %mul3A_328, %add3A_329 : i32
      %mul3A_331 = arith.constant 8 : i32
      %mul3A_332 = arith.muli %add3A_330, %mul3A_331 : i32
      %dma_wait3A_333 = arith.constant 32 : i32
      %dma_wait3A_334 = arith.constant 0 : i32
      %dma_wait3A_335 = tpu.memref_slice %arg6[%dma_wait3A_333, %dma_wait3A_334] : memref<48x2048xf32, #tpu.memory_space<vmem>> -> memref<8x2048xf32, #tpu.memory_space<vmem>>
      %dma_wait3A_336 = tpu.memref_slice %arg5[%mul3A_326] : memref<1024xi32, #tpu.memory_space<vmem>> -> memref<8xi32, #tpu.memory_space<vmem>>
      %dma_wait3A_337 = arith.constant 0 : i32
      %dma_wait3A_338 = arith.constant 0 : i32
      %dma_wait3A_339 = tpu.memref_slice %arg3[%dma_wait3A_337, %dma_wait3A_338] : memref<8192x2048xf32, #tpu.memory_space<hbm>> -> memref<8192x2048xf32, #tpu.memory_space<hbm>>
      tpu.wait_indirect_dma semaphore(%arg11 : memref<!tpu.dma_semaphore, #tpu.memory_space<semaphore_mem>>) src(%dma_wait3A_339 : memref<8192x2048xf32, #tpu.memory_space<hbm>>) dst(%dma_wait3A_335 : memref<8x2048xf32, #tpu.memory_space<vmem>>)
      %dma_wait3A_340 = arith.constant 40 : i32
      %dma_wait3A_341 = arith.constant 0 : i32
      %dma_wait3A_342 = tpu.memref_slice %arg6[%dma_wait3A_340, %dma_wait3A_341] : memref<48x2048xf32, #tpu.memory_space<vmem>> -> memref<8x2048xf32, #tpu.memory_space<vmem>>
      %dma_wait3A_343 = tpu.memref_slice %arg5[%mul3A_332] : memref<1024xi32, #tpu.memory_space<vmem>> -> memref<8xi32, #tpu.memory_space<vmem>>
      %dma_wait3A_344 = arith.constant 0 : i32
      %dma_wait3A_345 = arith.constant 0 : i32
      %dma_wait3A_346 = tpu.memref_slice %arg3[%dma_wait3A_344, %dma_wait3A_345] : memref<8192x2048xf32, #tpu.memory_space<hbm>> -> memref<8192x2048xf32, #tpu.memory_space<hbm>>
      tpu.wait_indirect_dma semaphore(%arg12 : memref<!tpu.dma_semaphore, #tpu.memory_space<semaphore_mem>>) src(%dma_wait3A_346 : memref<8192x2048xf32, #tpu.memory_space<hbm>>) dst(%dma_wait3A_342 : memref<8x2048xf32, #tpu.memory_space<vmem>>)
      %add3A_347 = arith.constant 2 : i32
      %add3A_348 = arith.addi %mul3A_232, %add3A_347 : i32
      %mul3A_349 = arith.constant 16 : i32
      %mul3A_350 = arith.muli %add3A_348, %mul3A_349 : i32
      %add3A_351 = arith.addi %mul3A_2, %mul3A_350 : i32
      %dma_start3A_352 = arith.constant 32 : i32
      %dma_start3A_353 = arith.constant 0 : i32
      %dma_start3A_354 = tpu.memref_slice %arg6[%dma_start3A_352, %dma_start3A_353] : memref<48x2048xf32, #tpu.memory_space<vmem>> -> memref<16x2048xf32, #tpu.memory_space<vmem>>
      %dma_start3A_355 = arith.constant 0 : i32
      %dma_start3A_356 = tpu.memref_slice %arg4[%add3A_351, %dma_start3A_355] : memref<32768x2048xf32, #tpu.memory_space<hbm>> -> memref<16x2048xf32, #tpu.memory_space<hbm>>
      %dma_start3A_357 = arith.constant 0 : i32
      %dma_start3A_358 = tpu.memref_slice %arg4[%add3A_351, %dma_start3A_357] : memref<32768x2048xf32, #tpu.memory_space<hbm>> -> memref<16x2048xf32, #tpu.memory_space<hbm>>
      %dma_start3A_359 = arith.constant 32 : i32
      %dma_start3A_360 = arith.constant 0 : i32
      %dma_start3A_361 = tpu.memref_slice %arg6[%dma_start3A_359, %dma_start3A_360] : memref<48x2048xf32, #tpu.memory_space<vmem>> -> memref<16x2048xf32, #tpu.memory_space<vmem>>
      tpu.enqueue_dma source(%dma_start3A_361 : memref<16x2048xf32, #tpu.memory_space<vmem>>) target(%dma_start3A_358 : memref<16x2048xf32, #tpu.memory_space<hbm>>) target_semaphore(%arg15 : memref<!tpu.dma_semaphore, #tpu.memory_space<semaphore_mem>>)
      %add3A_362 = arith.constant 0 : i32
      %add3A_363 = arith.addi %mul3A_232, %add3A_362 : i32
      %mul3A_364 = arith.constant 16 : i32
      %mul3A_365 = arith.muli %add3A_363, %mul3A_364 : i32
      %add3A_366 = arith.addi %mul3A_2, %mul3A_365 : i32
      %dma_wait3A_367 = arith.constant 0 : i32
      %dma_wait3A_368 = arith.constant 0 : i32
      %dma_wait3A_369 = tpu.memref_slice %arg6[%dma_wait3A_367, %dma_wait3A_368] : memref<48x2048xf32, #tpu.memory_space<vmem>> -> memref<16x2048xf32, #tpu.memory_space<vmem>>
      %dma_wait3A_370 = arith.constant 0 : i32
      %dma_wait3A_371 = tpu.memref_slice %arg4[%add3A_366, %dma_wait3A_370] : memref<32768x2048xf32, #tpu.memory_space<hbm>> -> memref<16x2048xf32, #tpu.memory_space<hbm>>
      %dma_wait3A_372 = arith.constant 0 : i32
      %dma_wait3A_373 = tpu.memref_slice %arg4[%add3A_366, %dma_wait3A_372] : memref<32768x2048xf32, #tpu.memory_space<hbm>> -> memref<16x2048xf32, #tpu.memory_space<hbm>>
      %dma_wait3A_374 = arith.constant 0 : i32
      %dma_wait3A_375 = arith.constant 0 : i32
      %dma_wait3A_376 = tpu.memref_slice %arg6[%dma_wait3A_374, %dma_wait3A_375] : memref<48x2048xf32, #tpu.memory_space<vmem>> -> memref<16x2048xf32, #tpu.memory_space<vmem>>
      tpu.wait_dma2 semaphore(%arg13 : memref<!tpu.dma_semaphore, #tpu.memory_space<semaphore_mem>>) src(%dma_wait3A_376 : memref<16x2048xf32, #tpu.memory_space<vmem>>) dst(%dma_wait3A_373 : memref<16x2048xf32, #tpu.memory_space<hbm>>)
      %add3A_377 = arith.constant 0 : i32
      %add3A_378 = arith.addi %mul3A_232, %add3A_377 : i32
      %add3A_379 = arith.constant 3 : i32
      %add3A_380 = arith.addi %add3A_378, %add3A_379 : i32
      %mul3A_381 = arith.constant 2 : i32
      %mul3A_382 = arith.muli %add3A_380, %mul3A_381 : i32
      %add3A_383 = arith.constant 0 : i32
      %add3A_384 = arith.addi %mul3A_382, %add3A_383 : i32
      %mul3A_385 = arith.constant 8 : i32
      %mul3A_386 = arith.muli %add3A_384, %mul3A_385 : i32
      %mul3A_387 = arith.constant 2 : i32
      %mul3A_388 = arith.muli %add3A_380, %mul3A_387 : i32
      %add3A_389 = arith.constant 1 : i32
      %add3A_390 = arith.addi %mul3A_388, %add3A_389 : i32
      %mul3A_391 = arith.constant 8 : i32
      %mul3A_392 = arith.muli %add3A_390, %mul3A_391 : i32
      %dma_start3A_393 = arith.constant 0 : i32
      %dma_start3A_394 = arith.constant 0 : i32
      %dma_start3A_395 = tpu.memref_slice %arg6[%dma_start3A_393, %dma_start3A_394] : memref<48x2048xf32, #tpu.memory_space<vmem>> -> memref<8x2048xf32, #tpu.memory_space<vmem>>
      %dma_start3A_396 = tpu.memref_slice %arg5[%mul3A_386] : memref<1024xi32, #tpu.memory_space<vmem>> -> memref<8xi32, #tpu.memory_space<vmem>>
      %dma_start3A_397 = arith.constant 0 : i32
      %dma_start3A_398 = arith.constant 0 : i32
      %dma_start3A_399 = tpu.memref_slice %arg3[%dma_start3A_397, %dma_start3A_398] : memref<8192x2048xf32, #tpu.memory_space<hbm>> -> memref<8192x2048xf32, #tpu.memory_space<hbm>>
      tpu.enqueue_indirect_dma source(%dma_start3A_399 : memref<8192x2048xf32, #tpu.memory_space<hbm>>) target(%dma_start3A_395 : memref<8x2048xf32, #tpu.memory_space<vmem>>) offsets(%dma_start3A_396 : memref<8xi32, #tpu.memory_space<vmem>>) semaphore(%arg7 : memref<!tpu.dma_semaphore, #tpu.memory_space<semaphore_mem>>)
      %dma_start3A_400 = arith.constant 8 : i32
      %dma_start3A_401 = arith.constant 0 : i32
      %dma_start3A_402 = tpu.memref_slice %arg6[%dma_start3A_400, %dma_start3A_401] : memref<48x2048xf32, #tpu.memory_space<vmem>> -> memref<8x2048xf32, #tpu.memory_space<vmem>>
      %dma_start3A_403 = tpu.memref_slice %arg5[%mul3A_392] : memref<1024xi32, #tpu.memory_space<vmem>> -> memref<8xi32, #tpu.memory_space<vmem>>
      %dma_start3A_404 = arith.constant 0 : i32
      %dma_start3A_405 = arith.constant 0 : i32
      %dma_start3A_406 = tpu.memref_slice %arg3[%dma_start3A_404, %dma_start3A_405] : memref<8192x2048xf32, #tpu.memory_space<hbm>> -> memref<8192x2048xf32, #tpu.memory_space<hbm>>
      tpu.enqueue_indirect_dma source(%dma_start3A_406 : memref<8192x2048xf32, #tpu.memory_space<hbm>>) target(%dma_start3A_402 : memref<8x2048xf32, #tpu.memory_space<vmem>>) offsets(%dma_start3A_403 : memref<8xi32, #tpu.memory_space<vmem>>) semaphore(%arg8 : memref<!tpu.dma_semaphore, #tpu.memory_space<semaphore_mem>>)
      %add3A_407 = arith.constant 1 : i32
      %add3A_408 = arith.addi %mul3A_232, %add3A_407 : i32
      %mul3A_409 = arith.constant 16 : i32
      %mul3A_410 = arith.muli %add3A_408, %mul3A_409 : i32
      %add3A_411 = arith.addi %mul3A_2, %mul3A_410 : i32
      %dma_wait3A_412 = arith.constant 16 : i32
      %dma_wait3A_413 = arith.constant 0 : i32
      %dma_wait3A_414 = tpu.memref_slice %arg6[%dma_wait3A_412, %dma_wait3A_413] : memref<48x2048xf32, #tpu.memory_space<vmem>> -> memref<16x2048xf32, #tpu.memory_space<vmem>>
      %dma_wait3A_415 = arith.constant 0 : i32
      %dma_wait3A_416 = tpu.memref_slice %arg4[%add3A_411, %dma_wait3A_415] : memref<32768x2048xf32, #tpu.memory_space<hbm>> -> memref<16x2048xf32, #tpu.memory_space<hbm>>
      %dma_wait3A_417 = arith.constant 0 : i32
      %dma_wait3A_418 = tpu.memref_slice %arg4[%add3A_411, %dma_wait3A_417] : memref<32768x2048xf32, #tpu.memory_space<hbm>> -> memref<16x2048xf32, #tpu.memory_space<hbm>>
      %dma_wait3A_419 = arith.constant 16 : i32
      %dma_wait3A_420 = arith.constant 0 : i32
      %dma_wait3A_421 = tpu.memref_slice %arg6[%dma_wait3A_419, %dma_wait3A_420] : memref<48x2048xf32, #tpu.memory_space<vmem>> -> memref<16x2048xf32, #tpu.memory_space<vmem>>
      tpu.wait_dma2 semaphore(%arg14 : memref<!tpu.dma_semaphore, #tpu.memory_space<semaphore_mem>>) src(%dma_wait3A_421 : memref<16x2048xf32, #tpu.memory_space<vmem>>) dst(%dma_wait3A_418 : memref<16x2048xf32, #tpu.memory_space<hbm>>)
      %add3A_422 = arith.constant 1 : i32
      %add3A_423 = arith.addi %mul3A_232, %add3A_422 : i32
      %add3A_424 = arith.constant 3 : i32
      %add3A_425 = arith.addi %add3A_423, %add3A_424 : i32
      %mul3A_426 = arith.constant 2 : i32
      %mul3A_427 = arith.muli %add3A_425, %mul3A_426 : i32
      %add3A_428 = arith.constant 0 : i32
      %add3A_429 = arith.addi %mul3A_427, %add3A_428 : i32
      %mul3A_430 = arith.constant 8 : i32
      %mul3A_431 = arith.muli %add3A_429, %mul3A_430 : i32
      %mul3A_432 = arith.constant 2 : i32
      %mul3A_433 = arith.muli %add3A_425, %mul3A_432 : i32
      %add3A_434 = arith.constant 1 : i32
      %add3A_435 = arith.addi %mul3A_433, %add3A_434 : i32
      %mul3A_436 = arith.constant 8 : i32
      %mul3A_437 = arith.muli %add3A_435, %mul3A_436 : i32
      %dma_start3A_438 = arith.constant 16 : i32
      %dma_start3A_439 = arith.constant 0 : i32
      %dma_start3A_440 = tpu.memref_slice %arg6[%dma_start3A_438, %dma_start3A_439] : memref<48x2048xf32, #tpu.memory_space<vmem>> -> memref<8x2048xf32, #tpu.memory_space<vmem>>
      %dma_start3A_441 = tpu.memref_slice %arg5[%mul3A_431] : memref<1024xi32, #tpu.memory_space<vmem>> -> memref<8xi32, #tpu.memory_space<vmem>>
      %dma_start3A_442 = arith.constant 0 : i32
      %dma_start3A_443 = arith.constant 0 : i32
      %dma_start3A_444 = tpu.memref_slice %arg3[%dma_start3A_442, %dma_start3A_443] : memref<8192x2048xf32, #tpu.memory_space<hbm>> -> memref<8192x2048xf32, #tpu.memory_space<hbm>>
      tpu.enqueue_indirect_dma source(%dma_start3A_444 : memref<8192x2048xf32, #tpu.memory_space<hbm>>) target(%dma_start3A_440 : memref<8x2048xf32, #tpu.memory_space<vmem>>) offsets(%dma_start3A_441 : memref<8xi32, #tpu.memory_space<vmem>>) semaphore(%arg9 : memref<!tpu.dma_semaphore, #tpu.memory_space<semaphore_mem>>)
      %dma_start3A_445 = arith.constant 24 : i32
      %dma_start3A_446 = arith.constant 0 : i32
      %dma_start3A_447 = tpu.memref_slice %arg6[%dma_start3A_445, %dma_start3A_446] : memref<48x2048xf32, #tpu.memory_space<vmem>> -> memref<8x2048xf32, #tpu.memory_space<vmem>>
      %dma_start3A_448 = tpu.memref_slice %arg5[%mul3A_437] : memref<1024xi32, #tpu.memory_space<vmem>> -> memref<8xi32, #tpu.memory_space<vmem>>
      %dma_start3A_449 = arith.constant 0 : i32
      %dma_start3A_450 = arith.constant 0 : i32
      %dma_start3A_451 = tpu.memref_slice %arg3[%dma_start3A_449, %dma_start3A_450] : memref<8192x2048xf32, #tpu.memory_space<hbm>> -> memref<8192x2048xf32, #tpu.memory_space<hbm>>
      tpu.enqueue_indirect_dma source(%dma_start3A_451 : memref<8192x2048xf32, #tpu.memory_space<hbm>>) target(%dma_start3A_447 : memref<8x2048xf32, #tpu.memory_space<vmem>>) offsets(%dma_start3A_448 : memref<8xi32, #tpu.memory_space<vmem>>) semaphore(%arg10 : memref<!tpu.dma_semaphore, #tpu.memory_space<semaphore_mem>>)
      %add3A_452 = arith.constant 2 : i32
      %add3A_453 = arith.addi %mul3A_232, %add3A_452 : i32
      %mul3A_454 = arith.constant 16 : i32
      %mul3A_455 = arith.muli %add3A_453, %mul3A_454 : i32
      %add3A_456 = arith.addi %mul3A_2, %mul3A_455 : i32
      %dma_wait3A_457 = arith.constant 32 : i32
      %dma_wait3A_458 = arith.constant 0 : i32
      %dma_wait3A_459 = tpu.memref_slice %arg6[%dma_wait3A_457, %dma_wait3A_458] : memref<48x2048xf32, #tpu.memory_space<vmem>> -> memref<16x2048xf32, #tpu.memory_space<vmem>>
      %dma_wait3A_460 = arith.constant 0 : i32
      %dma_wait3A_461 = tpu.memref_slice %arg4[%add3A_456, %dma_wait3A_460] : memref<32768x2048xf32, #tpu.memory_space<hbm>> -> memref<16x2048xf32, #tpu.memory_space<hbm>>
      %dma_wait3A_462 = arith.constant 0 : i32
      %dma_wait3A_463 = tpu.memref_slice %arg4[%add3A_456, %dma_wait3A_462] : memref<32768x2048xf32, #tpu.memory_space<hbm>> -> memref<16x2048xf32, #tpu.memory_space<hbm>>
      %dma_wait3A_464 = arith.constant 32 : i32
      %dma_wait3A_465 = arith.constant 0 : i32
      %dma_wait3A_466 = tpu.memref_slice %arg6[%dma_wait3A_464, %dma_wait3A_465] : memref<48x2048xf32, #tpu.memory_space<vmem>> -> memref<16x2048xf32, #tpu.memory_space<vmem>>
      tpu.wait_dma2 semaphore(%arg15 : memref<!tpu.dma_semaphore, #tpu.memory_space<semaphore_mem>>) src(%dma_wait3A_466 : memref<16x2048xf32, #tpu.memory_space<vmem>>) dst(%dma_wait3A_463 : memref<16x2048xf32, #tpu.memory_space<hbm>>)
      %add3A_467 = arith.constant 2 : i32
      %add3A_468 = arith.addi %mul3A_232, %add3A_467 : i32
      %add3A_469 = arith.constant 3 : i32
      %add3A_470 = arith.addi %add3A_468, %add3A_469 : i32
      %mul3A_471 = arith.constant 2 : i32
      %mul3A_472 = arith.muli %add3A_470, %mul3A_471 : i32
      %add3A_473 = arith.constant 0 : i32
      %add3A_474 = arith.addi %mul3A_472, %add3A_473 : i32
      %mul3A_475 = arith.constant 8 : i32
      %mul3A_476 = arith.muli %add3A_474, %mul3A_475 : i32
      %mul3A_477 = arith.constant 2 : i32
      %mul3A_478 = arith.muli %add3A_470, %mul3A_477 : i32
      %add3A_479 = arith.constant 1 : i32
      %add3A_480 = arith.addi %mul3A_478, %add3A_479 : i32
      %mul3A_481 = arith.constant 8 : i32
      %mul3A_482 = arith.muli %add3A_480, %mul3A_481 : i32
      %dma_start3A_483 = arith.constant 32 : i32
      %dma_start3A_484 = arith.constant 0 : i32
      %dma_start3A_485 = tpu.memref_slice %arg6[%dma_start3A_483, %dma_start3A_484] : memref<48x2048xf32, #tpu.memory_space<vmem>> -> memref<8x2048xf32, #tpu.memory_space<vmem>>
      %dma_start3A_486 = tpu.memref_slice %arg5[%mul3A_476] : memref<1024xi32, #tpu.memory_space<vmem>> -> memref<8xi32, #tpu.memory_space<vmem>>
      %dma_start3A_487 = arith.constant 0 : i32
      %dma_start3A_488 = arith.constant 0 : i32
      %dma_start3A_489 = tpu.memref_slice %arg3[%dma_start3A_487, %dma_start3A_488] : memref<8192x2048xf32, #tpu.memory_space<hbm>> -> memref<8192x2048xf32, #tpu.memory_space<hbm>>
      tpu.enqueue_indirect_dma source(%dma_start3A_489 : memref<8192x2048xf32, #tpu.memory_space<hbm>>) target(%dma_start3A_485 : memref<8x2048xf32, #tpu.memory_space<vmem>>) offsets(%dma_start3A_486 : memref<8xi32, #tpu.memory_space<vmem>>) semaphore(%arg11 : memref<!tpu.dma_semaphore, #tpu.memory_space<semaphore_mem>>)
      %dma_start3A_490 = arith.constant 40 : i32
      %dma_start3A_491 = arith.constant 0 : i32
      %dma_start3A_492 = tpu.memref_slice %arg6[%dma_start3A_490, %dma_start3A_491] : memref<48x2048xf32, #tpu.memory_space<vmem>> -> memref<8x2048xf32, #tpu.memory_space<vmem>>
      %dma_start3A_493 = tpu.memref_slice %arg5[%mul3A_482] : memref<1024xi32, #tpu.memory_space<vmem>> -> memref<8xi32, #tpu.memory_space<vmem>>
      %dma_start3A_494 = arith.constant 0 : i32
      %dma_start3A_495 = arith.constant 0 : i32
      %dma_start3A_496 = tpu.memref_slice %arg3[%dma_start3A_494, %dma_start3A_495] : memref<8192x2048xf32, #tpu.memory_space<hbm>> -> memref<8192x2048xf32, #tpu.memory_space<hbm>>
      tpu.enqueue_indirect_dma source(%dma_start3A_496 : memref<8192x2048xf32, #tpu.memory_space<hbm>>) target(%dma_start3A_492 : memref<8x2048xf32, #tpu.memory_space<vmem>>) offsets(%dma_start3A_493 : memref<8xi32, #tpu.memory_space<vmem>>) semaphore(%arg12 : memref<!tpu.dma_semaphore, #tpu.memory_space<semaphore_mem>>)
    }
    %scan3A_54 = arith.constant 20 : i32
    %dma_wait3A = arith.constant 0 : i32
    %dma_wait3A_55 = arith.constant 0 : i32
    %dma_wait3A_56 = tpu.memref_slice %arg6[%dma_wait3A, %dma_wait3A_55] : memref<48x2048xf32, #tpu.memory_space<vmem>> -> memref<8x2048xf32, #tpu.memory_space<vmem>>
    %dma_wait3A_57 = arith.constant 960 : i32
    %dma_wait3A_58 = tpu.memref_slice %arg5[%dma_wait3A_57] : memref<1024xi32, #tpu.memory_space<vmem>> -> memref<8xi32, #tpu.memory_space<vmem>>
    %dma_wait3A_59 = arith.constant 0 : i32
    %dma_wait3A_60 = arith.constant 0 : i32
    %dma_wait3A_61 = tpu.memref_slice %arg3[%dma_wait3A_59, %dma_wait3A_60] : memref<8192x2048xf32, #tpu.memory_space<hbm>> -> memref<8192x2048xf32, #tpu.memory_space<hbm>>
    tpu.wait_indirect_dma semaphore(%arg7 : memref<!tpu.dma_semaphore, #tpu.memory_space<semaphore_mem>>) src(%dma_wait3A_61 : memref<8192x2048xf32, #tpu.memory_space<hbm>>) dst(%dma_wait3A_56 : memref<8x2048xf32, #tpu.memory_space<vmem>>)
    %dma_wait3A_62 = arith.constant 8 : i32
    %dma_wait3A_63 = arith.constant 0 : i32
    %dma_wait3A_64 = tpu.memref_slice %arg6[%dma_wait3A_62, %dma_wait3A_63] : memref<48x2048xf32, #tpu.memory_space<vmem>> -> memref<8x2048xf32, #tpu.memory_space<vmem>>
    %dma_wait3A_65 = arith.constant 968 : i32
    %dma_wait3A_66 = tpu.memref_slice %arg5[%dma_wait3A_65] : memref<1024xi32, #tpu.memory_space<vmem>> -> memref<8xi32, #tpu.memory_space<vmem>>
    %dma_wait3A_67 = arith.constant 0 : i32
    %dma_wait3A_68 = arith.constant 0 : i32
    %dma_wait3A_69 = tpu.memref_slice %arg3[%dma_wait3A_67, %dma_wait3A_68] : memref<8192x2048xf32, #tpu.memory_space<hbm>> -> memref<8192x2048xf32, #tpu.memory_space<hbm>>
    tpu.wait_indirect_dma semaphore(%arg8 : memref<!tpu.dma_semaphore, #tpu.memory_space<semaphore_mem>>) src(%dma_wait3A_69 : memref<8192x2048xf32, #tpu.memory_space<hbm>>) dst(%dma_wait3A_64 : memref<8x2048xf32, #tpu.memory_space<vmem>>)
    %add3A_70 = arith.constant 960 : i32
    %add3A_71 = arith.addi %mul3A_2, %add3A_70 : i32
    %dma_start3A_72 = arith.constant 0 : i32
    %dma_start3A_73 = arith.constant 0 : i32
    %dma_start3A_74 = tpu.memref_slice %arg6[%dma_start3A_72, %dma_start3A_73] : memref<48x2048xf32, #tpu.memory_space<vmem>> -> memref<16x2048xf32, #tpu.memory_space<vmem>>
    %dma_start3A_75 = arith.constant 0 : i32
    %dma_start3A_76 = tpu.memref_slice %arg4[%add3A_71, %dma_start3A_75] : memref<32768x2048xf32, #tpu.memory_space<hbm>> -> memref<16x2048xf32, #tpu.memory_space<hbm>>
    %dma_start3A_77 = arith.constant 0 : i32
    %dma_start3A_78 = tpu.memref_slice %arg4[%add3A_71, %dma_start3A_77] : memref<32768x2048xf32, #tpu.memory_space<hbm>> -> memref<16x2048xf32, #tpu.memory_space<hbm>>
    %dma_start3A_79 = arith.constant 0 : i32
    %dma_start3A_80 = arith.constant 0 : i32
    %dma_start3A_81 = tpu.memref_slice %arg6[%dma_start3A_79, %dma_start3A_80] : memref<48x2048xf32, #tpu.memory_space<vmem>> -> memref<16x2048xf32, #tpu.memory_space<vmem>>
    tpu.enqueue_dma source(%dma_start3A_81 : memref<16x2048xf32, #tpu.memory_space<vmem>>) target(%dma_start3A_78 : memref<16x2048xf32, #tpu.memory_space<hbm>>) target_semaphore(%arg13 : memref<!tpu.dma_semaphore, #tpu.memory_space<semaphore_mem>>)
    %add3A_82 = arith.constant 960 : i32
    %add3A_83 = arith.addi %mul3A_2, %add3A_82 : i32
    %dma_wait3A_84 = arith.constant 0 : i32
    %dma_wait3A_85 = arith.constant 0 : i32
    %dma_wait3A_86 = tpu.memref_slice %arg6[%dma_wait3A_84, %dma_wait3A_85] : memref<48x2048xf32, #tpu.memory_space<vmem>> -> memref<16x2048xf32, #tpu.memory_space<vmem>>
    %dma_wait3A_87 = arith.constant 0 : i32
    %dma_wait3A_88 = tpu.memref_slice %arg4[%add3A_83, %dma_wait3A_87] : memref<32768x2048xf32, #tpu.memory_space<hbm>> -> memref<16x2048xf32, #tpu.memory_space<hbm>>
    %dma_wait3A_89 = arith.constant 0 : i32
    %dma_wait3A_90 = tpu.memref_slice %arg4[%add3A_83, %dma_wait3A_89] : memref<32768x2048xf32, #tpu.memory_space<hbm>> -> memref<16x2048xf32, #tpu.memory_space<hbm>>
    %dma_wait3A_91 = arith.constant 0 : i32
    %dma_wait3A_92 = arith.constant 0 : i32
    %dma_wait3A_93 = tpu.memref_slice %arg6[%dma_wait3A_91, %dma_wait3A_92] : memref<48x2048xf32, #tpu.memory_space<vmem>> -> memref<16x2048xf32, #tpu.memory_space<vmem>>
    tpu.wait_dma2 semaphore(%arg13 : memref<!tpu.dma_semaphore, #tpu.memory_space<semaphore_mem>>) src(%dma_wait3A_93 : memref<16x2048xf32, #tpu.memory_space<vmem>>) dst(%dma_wait3A_90 : memref<16x2048xf32, #tpu.memory_space<hbm>>)
    %dma_start3A_94 = arith.constant 0 : i32
    %dma_start3A_95 = arith.constant 0 : i32
    %dma_start3A_96 = tpu.memref_slice %arg6[%dma_start3A_94, %dma_start3A_95] : memref<48x2048xf32, #tpu.memory_space<vmem>> -> memref<8x2048xf32, #tpu.memory_space<vmem>>
    %dma_start3A_97 = arith.constant 1008 : i32
    %dma_start3A_98 = tpu.memref_slice %arg5[%dma_start3A_97] : memref<1024xi32, #tpu.memory_space<vmem>> -> memref<8xi32, #tpu.memory_space<vmem>>
    %dma_start3A_99 = arith.constant 0 : i32
    %dma_start3A_100 = arith.constant 0 : i32
    %dma_start3A_101 = tpu.memref_slice %arg3[%dma_start3A_99, %dma_start3A_100] : memref<8192x2048xf32, #tpu.memory_space<hbm>> -> memref<8192x2048xf32, #tpu.memory_space<hbm>>
    tpu.enqueue_indirect_dma source(%dma_start3A_101 : memref<8192x2048xf32, #tpu.memory_space<hbm>>) target(%dma_start3A_96 : memref<8x2048xf32, #tpu.memory_space<vmem>>) offsets(%dma_start3A_98 : memref<8xi32, #tpu.memory_space<vmem>>) semaphore(%arg7 : memref<!tpu.dma_semaphore, #tpu.memory_space<semaphore_mem>>)
    %dma_start3A_102 = arith.constant 8 : i32
    %dma_start3A_103 = arith.constant 0 : i32
    %dma_start3A_104 = tpu.memref_slice %arg6[%dma_start3A_102, %dma_start3A_103] : memref<48x2048xf32, #tpu.memory_space<vmem>> -> memref<8x2048xf32, #tpu.memory_space<vmem>>
    %dma_start3A_105 = arith.constant 1016 : i32
    %dma_start3A_106 = tpu.memref_slice %arg5[%dma_start3A_105] : memref<1024xi32, #tpu.memory_space<vmem>> -> memref<8xi32, #tpu.memory_space<vmem>>
    %dma_start3A_107 = arith.constant 0 : i32
    %dma_start3A_108 = arith.constant 0 : i32
    %dma_start3A_109 = tpu.memref_slice %arg3[%dma_start3A_107, %dma_start3A_108] : memref<8192x2048xf32, #tpu.memory_space<hbm>> -> memref<8192x2048xf32, #tpu.memory_space<hbm>>
    tpu.enqueue_indirect_dma source(%dma_start3A_109 : memref<8192x2048xf32, #tpu.memory_space<hbm>>) target(%dma_start3A_104 : memref<8x2048xf32, #tpu.memory_space<vmem>>) offsets(%dma_start3A_106 : memref<8xi32, #tpu.memory_space<vmem>>) semaphore(%arg8 : memref<!tpu.dma_semaphore, #tpu.memory_space<semaphore_mem>>)
    %dma_wait3A_110 = arith.constant 16 : i32
    %dma_wait3A_111 = arith.constant 0 : i32
    %dma_wait3A_112 = tpu.memref_slice %arg6[%dma_wait3A_110, %dma_wait3A_111] : memref<48x2048xf32, #tpu.memory_space<vmem>> -> memref<8x2048xf32, #tpu.memory_space<vmem>>
    %dma_wait3A_113 = arith.constant 976 : i32
    %dma_wait3A_114 = tpu.memref_slice %arg5[%dma_wait3A_113] : memref<1024xi32, #tpu.memory_space<vmem>> -> memref<8xi32, #tpu.memory_space<vmem>>
    %dma_wait3A_115 = arith.constant 0 : i32
    %dma_wait3A_116 = arith.constant 0 : i32
    %dma_wait3A_117 = tpu.memref_slice %arg3[%dma_wait3A_115, %dma_wait3A_116] : memref<8192x2048xf32, #tpu.memory_space<hbm>> -> memref<8192x2048xf32, #tpu.memory_space<hbm>>
    tpu.wait_indirect_dma semaphore(%arg9 : memref<!tpu.dma_semaphore, #tpu.memory_space<semaphore_mem>>) src(%dma_wait3A_117 : memref<8192x2048xf32, #tpu.memory_space<hbm>>) dst(%dma_wait3A_112 : memref<8x2048xf32, #tpu.memory_space<vmem>>)
    %dma_wait3A_118 = arith.constant 24 : i32
    %dma_wait3A_119 = arith.constant 0 : i32
    %dma_wait3A_120 = tpu.memref_slice %arg6[%dma_wait3A_118, %dma_wait3A_119] : memref<48x2048xf32, #tpu.memory_space<vmem>> -> memref<8x2048xf32, #tpu.memory_space<vmem>>
    %dma_wait3A_121 = arith.constant 984 : i32
    %dma_wait3A_122 = tpu.memref_slice %arg5[%dma_wait3A_121] : memref<1024xi32, #tpu.memory_space<vmem>> -> memref<8xi32, #tpu.memory_space<vmem>>
    %dma_wait3A_123 = arith.constant 0 : i32
    %dma_wait3A_124 = arith.constant 0 : i32
    %dma_wait3A_125 = tpu.memref_slice %arg3[%dma_wait3A_123, %dma_wait3A_124] : memref<8192x2048xf32, #tpu.memory_space<hbm>> -> memref<8192x2048xf32, #tpu.memory_space<hbm>>
    tpu.wait_indirect_dma semaphore(%arg10 : memref<!tpu.dma_semaphore, #tpu.memory_space<semaphore_mem>>) src(%dma_wait3A_125 : memref<8192x2048xf32, #tpu.memory_space<hbm>>) dst(%dma_wait3A_120 : memref<8x2048xf32, #tpu.memory_space<vmem>>)
    %add3A_126 = arith.constant 976 : i32
    %add3A_127 = arith.addi %mul3A_2, %add3A_126 : i32
    %dma_start3A_128 = arith.constant 16 : i32
    %dma_start3A_129 = arith.constant 0 : i32
    %dma_start3A_130 = tpu.memref_slice %arg6[%dma_start3A_128, %dma_start3A_129] : memref<48x2048xf32, #tpu.memory_space<vmem>> -> memref<16x2048xf32, #tpu.memory_space<vmem>>
    %dma_start3A_131 = arith.constant 0 : i32
    %dma_start3A_132 = tpu.memref_slice %arg4[%add3A_127, %dma_start3A_131] : memref<32768x2048xf32, #tpu.memory_space<hbm>> -> memref<16x2048xf32, #tpu.memory_space<hbm>>
    %dma_start3A_133 = arith.constant 0 : i32
    %dma_start3A_134 = tpu.memref_slice %arg4[%add3A_127, %dma_start3A_133] : memref<32768x2048xf32, #tpu.memory_space<hbm>> -> memref<16x2048xf32, #tpu.memory_space<hbm>>
    %dma_start3A_135 = arith.constant 16 : i32
    %dma_start3A_136 = arith.constant 0 : i32
    %dma_start3A_137 = tpu.memref_slice %arg6[%dma_start3A_135, %dma_start3A_136] : memref<48x2048xf32, #tpu.memory_space<vmem>> -> memref<16x2048xf32, #tpu.memory_space<vmem>>
    tpu.enqueue_dma source(%dma_start3A_137 : memref<16x2048xf32, #tpu.memory_space<vmem>>) target(%dma_start3A_134 : memref<16x2048xf32, #tpu.memory_space<hbm>>) target_semaphore(%arg14 : memref<!tpu.dma_semaphore, #tpu.memory_space<semaphore_mem>>)
    %dma_wait3A_138 = arith.constant 32 : i32
    %dma_wait3A_139 = arith.constant 0 : i32
    %dma_wait3A_140 = tpu.memref_slice %arg6[%dma_wait3A_138, %dma_wait3A_139] : memref<48x2048xf32, #tpu.memory_space<vmem>> -> memref<8x2048xf32, #tpu.memory_space<vmem>>
    %dma_wait3A_141 = arith.constant 992 : i32
    %dma_wait3A_142 = tpu.memref_slice %arg5[%dma_wait3A_141] : memref<1024xi32, #tpu.memory_space<vmem>> -> memref<8xi32, #tpu.memory_space<vmem>>
    %dma_wait3A_143 = arith.constant 0 : i32
    %dma_wait3A_144 = arith.constant 0 : i32
    %dma_wait3A_145 = tpu.memref_slice %arg3[%dma_wait3A_143, %dma_wait3A_144] : memref<8192x2048xf32, #tpu.memory_space<hbm>> -> memref<8192x2048xf32, #tpu.memory_space<hbm>>
    tpu.wait_indirect_dma semaphore(%arg11 : memref<!tpu.dma_semaphore, #tpu.memory_space<semaphore_mem>>) src(%dma_wait3A_145 : memref<8192x2048xf32, #tpu.memory_space<hbm>>) dst(%dma_wait3A_140 : memref<8x2048xf32, #tpu.memory_space<vmem>>)
    %dma_wait3A_146 = arith.constant 40 : i32
    %dma_wait3A_147 = arith.constant 0 : i32
    %dma_wait3A_148 = tpu.memref_slice %arg6[%dma_wait3A_146, %dma_wait3A_147] : memref<48x2048xf32, #tpu.memory_space<vmem>> -> memref<8x2048xf32, #tpu.memory_space<vmem>>
    %dma_wait3A_149 = arith.constant 1000 : i32
    %dma_wait3A_150 = tpu.memref_slice %arg5[%dma_wait3A_149] : memref<1024xi32, #tpu.memory_space<vmem>> -> memref<8xi32, #tpu.memory_space<vmem>>
    %dma_wait3A_151 = arith.constant 0 : i32
    %dma_wait3A_152 = arith.constant 0 : i32
    %dma_wait3A_153 = tpu.memref_slice %arg3[%dma_wait3A_151, %dma_wait3A_152] : memref<8192x2048xf32, #tpu.memory_space<hbm>> -> memref<8192x2048xf32, #tpu.memory_space<hbm>>
    tpu.wait_indirect_dma semaphore(%arg12 : memref<!tpu.dma_semaphore, #tpu.memory_space<semaphore_mem>>) src(%dma_wait3A_153 : memref<8192x2048xf32, #tpu.memory_space<hbm>>) dst(%dma_wait3A_148 : memref<8x2048xf32, #tpu.memory_space<vmem>>)
    %add3A_154 = arith.constant 992 : i32
    %add3A_155 = arith.addi %mul3A_2, %add3A_154 : i32
    %dma_start3A_156 = arith.constant 32 : i32
    %dma_start3A_157 = arith.constant 0 : i32
    %dma_start3A_158 = tpu.memref_slice %arg6[%dma_start3A_156, %dma_start3A_157] : memref<48x2048xf32, #tpu.memory_space<vmem>> -> memref<16x2048xf32, #tpu.memory_space<vmem>>
    %dma_start3A_159 = arith.constant 0 : i32
    %dma_start3A_160 = tpu.memref_slice %arg4[%add3A_155, %dma_start3A_159] : memref<32768x2048xf32, #tpu.memory_space<hbm>> -> memref<16x2048xf32, #tpu.memory_space<hbm>>
    %dma_start3A_161 = arith.constant 0 : i32
    %dma_start3A_162 = tpu.memref_slice %arg4[%add3A_155, %dma_start3A_161] : memref<32768x2048xf32, #tpu.memory_space<hbm>> -> memref<16x2048xf32, #tpu.memory_space<hbm>>
    %dma_start3A_163 = arith.constant 32 : i32
    %dma_start3A_164 = arith.constant 0 : i32
    %dma_start3A_165 = tpu.memref_slice %arg6[%dma_start3A_163, %dma_start3A_164] : memref<48x2048xf32, #tpu.memory_space<vmem>> -> memref<16x2048xf32, #tpu.memory_space<vmem>>
    tpu.enqueue_dma source(%dma_start3A_165 : memref<16x2048xf32, #tpu.memory_space<vmem>>) target(%dma_start3A_162 : memref<16x2048xf32, #tpu.memory_space<hbm>>) target_semaphore(%arg15 : memref<!tpu.dma_semaphore, #tpu.memory_space<semaphore_mem>>)
    %dma_wait3A_166 = arith.constant 0 : i32
    %dma_wait3A_167 = arith.constant 0 : i32
    %dma_wait3A_168 = tpu.memref_slice %arg6[%dma_wait3A_166, %dma_wait3A_167] : memref<48x2048xf32, #tpu.memory_space<vmem>> -> memref<8x2048xf32, #tpu.memory_space<vmem>>
    %dma_wait3A_169 = arith.constant 1008 : i32
    %dma_wait3A_170 = tpu.memref_slice %arg5[%dma_wait3A_169] : memref<1024xi32, #tpu.memory_space<vmem>> -> memref<8xi32, #tpu.memory_space<vmem>>
    %dma_wait3A_171 = arith.constant 0 : i32
    %dma_wait3A_172 = arith.constant 0 : i32
    %dma_wait3A_173 = tpu.memref_slice %arg3[%dma_wait3A_171, %dma_wait3A_172] : memref<8192x2048xf32, #tpu.memory_space<hbm>> -> memref<8192x2048xf32, #tpu.memory_space<hbm>>
    tpu.wait_indirect_dma semaphore(%arg7 : memref<!tpu.dma_semaphore, #tpu.memory_space<semaphore_mem>>) src(%dma_wait3A_173 : memref<8192x2048xf32, #tpu.memory_space<hbm>>) dst(%dma_wait3A_168 : memref<8x2048xf32, #tpu.memory_space<vmem>>)
    %dma_wait3A_174 = arith.constant 8 : i32
    %dma_wait3A_175 = arith.constant 0 : i32
    %dma_wait3A_176 = tpu.memref_slice %arg6[%dma_wait3A_174, %dma_wait3A_175] : memref<48x2048xf32, #tpu.memory_space<vmem>> -> memref<8x2048xf32, #tpu.memory_space<vmem>>
    %dma_wait3A_177 = arith.constant 1016 : i32
    %dma_wait3A_178 = tpu.memref_slice %arg5[%dma_wait3A_177] : memref<1024xi32, #tpu.memory_space<vmem>> -> memref<8xi32, #tpu.memory_space<vmem>>
    %dma_wait3A_179 = arith.constant 0 : i32
    %dma_wait3A_180 = arith.constant 0 : i32
    %dma_wait3A_181 = tpu.memref_slice %arg3[%dma_wait3A_179, %dma_wait3A_180] : memref<8192x2048xf32, #tpu.memory_space<hbm>> -> memref<8192x2048xf32, #tpu.memory_space<hbm>>
    tpu.wait_indirect_dma semaphore(%arg8 : memref<!tpu.dma_semaphore, #tpu.memory_space<semaphore_mem>>) src(%dma_wait3A_181 : memref<8192x2048xf32, #tpu.memory_space<hbm>>) dst(%dma_wait3A_176 : memref<8x2048xf32, #tpu.memory_space<vmem>>)
    %add3A_182 = arith.constant 1008 : i32
    %add3A_183 = arith.addi %mul3A_2, %add3A_182 : i32
    %dma_start3A_184 = arith.constant 0 : i32
    %dma_start3A_185 = arith.constant 0 : i32
    %dma_start3A_186 = tpu.memref_slice %arg6[%dma_start3A_184, %dma_start3A_185] : memref<48x2048xf32, #tpu.memory_space<vmem>> -> memref<16x2048xf32, #tpu.memory_space<vmem>>
    %dma_start3A_187 = arith.constant 0 : i32
    %dma_start3A_188 = tpu.memref_slice %arg4[%add3A_183, %dma_start3A_187] : memref<32768x2048xf32, #tpu.memory_space<hbm>> -> memref<16x2048xf32, #tpu.memory_space<hbm>>
    %dma_start3A_189 = arith.constant 0 : i32
    %dma_start3A_190 = tpu.memref_slice %arg4[%add3A_183, %dma_start3A_189] : memref<32768x2048xf32, #tpu.memory_space<hbm>> -> memref<16x2048xf32, #tpu.memory_space<hbm>>
    %dma_start3A_191 = arith.constant 0 : i32
    %dma_start3A_192 = arith.constant 0 : i32
    %dma_start3A_193 = tpu.memref_slice %arg6[%dma_start3A_191, %dma_start3A_192] : memref<48x2048xf32, #tpu.memory_space<vmem>> -> memref<16x2048xf32, #tpu.memory_space<vmem>>
    tpu.enqueue_dma source(%dma_start3A_193 : memref<16x2048xf32, #tpu.memory_space<vmem>>) target(%dma_start3A_190 : memref<16x2048xf32, #tpu.memory_space<hbm>>) target_semaphore(%arg13 : memref<!tpu.dma_semaphore, #tpu.memory_space<semaphore_mem>>)
    %add3A_194 = arith.constant 976 : i32
    %add3A_195 = arith.addi %mul3A_2, %add3A_194 : i32
    %dma_wait3A_196 = arith.constant 16 : i32
    %dma_wait3A_197 = arith.constant 0 : i32
    %dma_wait3A_198 = tpu.memref_slice %arg6[%dma_wait3A_196, %dma_wait3A_197] : memref<48x2048xf32, #tpu.memory_space<vmem>> -> memref<16x2048xf32, #tpu.memory_space<vmem>>
    %dma_wait3A_199 = arith.constant 0 : i32
    %dma_wait3A_200 = tpu.memref_slice %arg4[%add3A_195, %dma_wait3A_199] : memref<32768x2048xf32, #tpu.memory_space<hbm>> -> memref<16x2048xf32, #tpu.memory_space<hbm>>
    %dma_wait3A_201 = arith.constant 0 : i32
    %dma_wait3A_202 = tpu.memref_slice %arg4[%add3A_195, %dma_wait3A_201] : memref<32768x2048xf32, #tpu.memory_space<hbm>> -> memref<16x2048xf32, #tpu.memory_space<hbm>>
    %dma_wait3A_203 = arith.constant 16 : i32
    %dma_wait3A_204 = arith.constant 0 : i32
    %dma_wait3A_205 = tpu.memref_slice %arg6[%dma_wait3A_203, %dma_wait3A_204] : memref<48x2048xf32, #tpu.memory_space<vmem>> -> memref<16x2048xf32, #tpu.memory_space<vmem>>
    tpu.wait_dma2 semaphore(%arg14 : memref<!tpu.dma_semaphore, #tpu.memory_space<semaphore_mem>>) src(%dma_wait3A_205 : memref<16x2048xf32, #tpu.memory_space<vmem>>) dst(%dma_wait3A_202 : memref<16x2048xf32, #tpu.memory_space<hbm>>)
    %add3A_206 = arith.constant 992 : i32
    %add3A_207 = arith.addi %mul3A_2, %add3A_206 : i32
    %dma_wait3A_208 = arith.constant 32 : i32
    %dma_wait3A_209 = arith.constant 0 : i32
    %dma_wait3A_210 = tpu.memref_slice %arg6[%dma_wait3A_208, %dma_wait3A_209] : memref<48x2048xf32, #tpu.memory_space<vmem>> -> memref<16x2048xf32, #tpu.memory_space<vmem>>
    %dma_wait3A_211 = arith.constant 0 : i32
    %dma_wait3A_212 = tpu.memref_slice %arg4[%add3A_207, %dma_wait3A_211] : memref<32768x2048xf32, #tpu.memory_space<hbm>> -> memref<16x2048xf32, #tpu.memory_space<hbm>>
    %dma_wait3A_213 = arith.constant 0 : i32
    %dma_wait3A_214 = tpu.memref_slice %arg4[%add3A_207, %dma_wait3A_213] : memref<32768x2048xf32, #tpu.memory_space<hbm>> -> memref<16x2048xf32, #tpu.memory_space<hbm>>
    %dma_wait3A_215 = arith.constant 32 : i32
    %dma_wait3A_216 = arith.constant 0 : i32
    %dma_wait3A_217 = tpu.memref_slice %arg6[%dma_wait3A_215, %dma_wait3A_216] : memref<48x2048xf32, #tpu.memory_space<vmem>> -> memref<16x2048xf32, #tpu.memory_space<vmem>>
    tpu.wait_dma2 semaphore(%arg15 : memref<!tpu.dma_semaphore, #tpu.memory_space<semaphore_mem>>) src(%dma_wait3A_217 : memref<16x2048xf32, #tpu.memory_space<vmem>>) dst(%dma_wait3A_214 : memref<16x2048xf32, #tpu.memory_space<hbm>>)
    %add3A_218 = arith.constant 1008 : i32
    %add3A_219 = arith.addi %mul3A_2, %add3A_218 : i32
    %dma_wait3A_220 = arith.constant 0 : i32
    %dma_wait3A_221 = arith.constant 0 : i32
    %dma_wait3A_222 = tpu.memref_slice %arg6[%dma_wait3A_220, %dma_wait3A_221] : memref<48x2048xf32, #tpu.memory_space<vmem>> -> memref<16x2048xf32, #tpu.memory_space<vmem>>
    %dma_wait3A_223 = arith.constant 0 : i32
    %dma_wait3A_224 = tpu.memref_slice %arg4[%add3A_219, %dma_wait3A_223] : memref<32768x2048xf32, #tpu.memory_space<hbm>> -> memref<16x2048xf32, #tpu.memory_space<hbm>>
    %dma_wait3A_225 = arith.constant 0 : i32
    %dma_wait3A_226 = tpu.memref_slice %arg4[%add3A_219, %dma_wait3A_225] : memref<32768x2048xf32, #tpu.memory_space<hbm>> -> memref<16x2048xf32, #tpu.memory_space<hbm>>
    %dma_wait3A_227 = arith.constant 0 : i32
    %dma_wait3A_228 = arith.constant 0 : i32
    %dma_wait3A_229 = tpu.memref_slice %arg6[%dma_wait3A_227, %dma_wait3A_228] : memref<48x2048xf32, #tpu.memory_space<vmem>> -> memref<16x2048xf32, #tpu.memory_space<vmem>>
    tpu.wait_dma2 semaphore(%arg13 : memref<!tpu.dma_semaphore, #tpu.memory_space<semaphore_mem>>) src(%dma_wait3A_229 : memref<16x2048xf32, #tpu.memory_space<vmem>>) dst(%dma_wait3A_226 : memref<16x2048xf32, #tpu.memory_space<hbm>>)
    return
  }
}

</mosaic_0001>

<sc_bundles>
// kernel: kernel.3.cloned.1.call-start
scs
__scs_entry_jumppad:
0x0: {  	(pc) =	sbr.rel $0x88, $3  }
0x1: {  	(tag) =	ssettag $0x0;
	lr =	simm.s32 $0x1  }
0x2: {  	[smem:$0x3F9F] =	sst lr;
	_ =	strace $0xD0000000  }
0x3: {  	_ = 	snop  }
0x4: {  	_ = 	snop  }
0x5: {  	_ = 	snop  }
0x6: {  	_ = 	snop  }
0x7: {  	_ = 	snop  }
__scs_overlays_trampoline_lowered:
0x8: {  	[smem:$0x3FAE] =	sst s0  }
0x9: {  	[smem:$0x3FAF] =	sst s1  }
0xa: {  	[smem:$0x3FB0] =	sst s2  }
0xb: {  	[smem:$0x3FB1] =	sst s3  }
0xc: {  	[smem:$0x3FB2] =	sst s4  }
0xd: {  	[smem:$0x3FB3] =	sst s5  }
0xe: {  	[smem:$0x3FB4] =	sst s6  }
0xf: {  	[smem:$0x3FB5] =	sst s7  }
0x10: {  	[smem:$0x3FB6] =	sst s8  }
0x11: {  	[smem:$0x3FB7] =	sst s9;
	s0 =	simm.s32 @!p0 $0x0  }
0x12: {  	s1 =	sld [smem:$0x3F9D];
	s0 =	simm.s32 @p0 $0x1  }
0x13: {  	[smem:$0x3FB8] =	sst s0;
	s0 =	simm.s32 @!p1 $0x0  }
0x14: {  	s2 =	sld [smem:$0x3F9C];
	s0 =	simm.s32 @p1 $0x1  }
0x15: {  	[smem:$0x3FB9] =	sst s0;
	s0 =	simm.s32 @!p2 $0x0  }
0x16: {  	s3 =	sld [smem:$0x3FDB];
	s0 =	simm.s32 @p2 $0x1  }
0x17: {  	s4 =	simm.s32 $0x1BF5;
	[smem:$0x3FBB] =	sst s0  }
0x18: {  	s0 =	sld [smem:$0x3F9E];
	_ =	swait.ge [sflag:s4], $0x0  }
0x19: {  	s7 =	sld [smem:$0x3F9F]  }
0x1a: {  	s8 =	sadd.s32 $0xFFFFE003, lr  }
0x1b: {  	s9 =	sadd.s32 $0xFFFFFEF7, lr;
	s5 =	simm.s32 $0xFFFFFFFF;
	p2 =	slt.u32 s8, $0xFFFFF086  }
0x1c: {  	p1 =	slt.u32 s9, $0xF7A;
	s5 =	simm.s32 @!p2 $0x0  }
0x1d: {  	s5 =	simm.s32 @p1 $0x1;
	p0 =	seq.s32 s7, s2  }
0x1e: {  	s7 =	smul.u32 @!p0 $0xF7A, s2;
	p2 =	seq.s32 @!p0 s5, $0x0  }
0x1f: {  	s9 =	smul.u32 $0xF7A, s1;
	s8 =	simm.s32 @!p0 $0x1BF5;
	p2 =	por !p2, p0  }
0x20: {  	[sflag:s8] =	ssyncset.s32 @!p0 $0xFFFFF086;
	s6 =	sadd.s32 @!p0 s3, s7;
	s7 =	simm.s32 @!p0 $0x108  }
0x21: {  	s3 =	sadd.s32 s3, s9;
	s6 =	sadd.s32 @!p0 $0x88, s6;
	s7 =	simm.s32 @p2 $0x1082  }
0x22: {  	[simem:s7], [sflag:s8] =	dma.local @!p0 [hbm:s6], $0xF7A  }
0x23: {  	s9 =	sor.u32 $0xD0000000, s2;
	s6 =	simm.s32 $0x108;
	_ =	swait.ge @!p0 [sflag:s8], $0x0  }
0x24: {  	s3 =	sadd.s32 $0x88, s3;
	s6 =	simm.s32 @!p1 $0x1082;
	[sflag:s4] =	ssyncset.s32 $0xFFFFF086  }
0x25: {  	[simem:s6], [sflag:s4] =	dma.local [hbm:s3], $0xF7A  }
0x26: {  	[smem:$0x3F9F] =	sst s1;
	(tag) =	ssettag s2;
	_ =	strace s9  }
0x27: {  	s1 =	sld [smem:$0x3FAF]  }
0x28: {  	s2 =	sld [smem:$0x3FB0]  }
0x29: {  	s4 =	sld [smem:$0x3FB2]  }
0x2a: {  	p0 =	seq.s32 s5, $0x0;
	s5 =	sld [smem:$0x3FB3]  }
0x2b: {  	s6 =	sld [smem:$0x3FB4]  }
0x2c: {  	s7 =	sld [smem:$0x3FB5]  }
0x2d: {  	s3 =	simm.s32 $0x108;
	s8 =	sld [smem:$0x3FB6]  }
0x2e: {  	s3 =	simm.s32 @!p0 $0x1082;
	s9 =	sld [smem:$0x3FB7]  }
0x2f: {  	lr =	sadd.s32 s0, s3;
	s0 =	sld [smem:$0x3FAE]  }
0x30: {  	s3 =	sld [smem:$0x3FB1]  }
0x31: {  	[smem:$0x3FBA] =	sst s10  }
0x32: {  	s10 =	sld [smem:$0x3FB8];
	_ =	sdelay $0x3  }
0x33: {  	p0 =	seq.s32 s10, $0x1;
	s10 =	sld [smem:$0x3FBA];
	_ =	sdelay $0x3  }
0x34: {  	[smem:$0x3FBA] =	sst s10  }
0x35: {  	s10 =	sld [smem:$0x3FB9];
	_ =	sdelay $0x3  }
0x36: {  	p1 =	seq.s32 s10, $0x1;
	s10 =	sld [smem:$0x3FBA];
	_ =	sdelay $0x3  }
0x37: {  	[smem:$0x3FBA] =	sst s10  }
0x38: {  	s10 =	sld [smem:$0x3FBB]  }
0x39: {  	_ = 	snop;
	(pc) =	sbr.ind lr, $3  }
0x3a: {  	_ = 	snop  }
0x3b: {  	_ = 	snop  }
0x3c: {  	p2 =	seq.s32 s10, $0x1;
	s10 =	sld [smem:$0x3FBA]  }
0x3d: {  	_ =	shalt  }
0x3e: {  	_ =	shalt  }
0x3f: {  	_ =	shalt  }
0x40: {  	_ =	shalt  }
0x41: {  	_ =	shalt  }
0x42: {  	_ =	shalt  }
0x43: {  	_ =	shalt  }
0x44: {  	_ =	shalt  }
0x45: {  	_ =	shalt  }
0x46: {  	_ =	shalt  }
0x47: {  	_ =	shalt  }
0x48: {  	_ =	shalt  }
0x49: {  	_ =	shalt  }
0x4a: {  	_ =	shalt  }
0x4b: {  	_ =	shalt  }
0x4c: {  	_ =	shalt  }
0x4d: {  	_ =	shalt  }
0x4e: {  	_ =	shalt  }
0x4f: {  	_ =	shalt  }
0x50: {  	_ =	shalt  }
0x51: {  	_ =	shalt  }
0x52: {  	_ =	shalt  }
0x53: {  	_ =	shalt  }
0x54: {  	_ =	shalt  }
0x55: {  	_ =	shalt  }
0x56: {  	_ =	shalt  }
0x57: {  	_ =	shalt  }
0x58: {  	_ =	shalt  }
0x59: {  	_ =	shalt  }
0x5a: {  	_ =	shalt  }
0x5b: {  	_ =	shalt  }
0x5c: {  	_ =	shalt  }
0x5d: {  	_ =	shalt  }
0x5e: {  	_ =	shalt  }
0x5f: {  	_ =	shalt  }
0x60: {  	_ =	shalt  }
0x61: {  	_ =	shalt  }
0x62: {  	_ =	shalt  }
0x63: {  	_ =	shalt  }
0x64: {  	_ =	shalt  }
0x65: {  	_ =	shalt  }
0x66: {  	_ =	shalt  }
0x67: {  	_ =	shalt  }
0x68: {  	_ =	shalt  }
0x69: {  	_ =	shalt  }
0x6a: {  	_ =	shalt  }
0x6b: {  	_ =	shalt  }
0x6c: {  	_ =	shalt  }
0x6d: {  	_ =	shalt  }
0x6e: {  	_ =	shalt  }
0x6f: {  	_ =	shalt  }
0x70: {  	_ =	shalt  }
0x71: {  	_ =	shalt  }
0x72: {  	_ =	shalt  }
0x73: {  	_ =	shalt  }
0x74: {  	_ =	shalt  }
0x75: {  	_ =	shalt  }
0x76: {  	_ =	shalt  }
0x77: {  	_ =	shalt  }
0x78: {  	_ =	shalt  }
0x79: {  	_ =	shalt  }
0x7a: {  	_ =	shalt  }
0x7b: {  	_ =	shalt  }
0x7c: {  	_ =	shalt  }
0x7d: {  	_ =	shalt  }
0x7e: {  	_ =	shalt  }
0x7f: {  	_ =	shalt  }
0x80: {  	_ =	shalt  }
0x81: {  	_ =	shalt  }
0x82: {  	_ =	shalt  }
0x83: {  	_ =	shalt  }
0x84: {  	_ =	shalt  }
0x85: {  	_ =	shalt  }
0x86: {  	_ =	shalt  }
0x87: {  	_ =	shalt  }
.Lfunc_end0:
.L_simem_size_0:
called_computation_lowered:
.L_overlay_start_0:
0x88: {  	s2 =	sld [smem:$0x3FD9]  }
0x89: {  	s3 =	sld [smem:$0x3FFE];
	_ =	sdelay $0x1  }
0x8a: {  	s1 =	srdreg.scid  }
0x8b: {  	s0 =	sand.u32 $0x1, s1  }
0x8c: {  	s17 =	sshll.u32 s0, $0xA;
	s2 =	sadd.s32 s3, s2  }
0x8d: {  	s2 =	sadd.s32 s2, s17  }
0x8e: {  	[smem:$0x3FC6] =	sst s2  }
0x8f: {  	_ = 	snop  }
0x90: {  	s2 =	sld [smem:$0x3FC8]  }
0x91: {  	s18 =	sld [smem:$0x3FD0];
	(tm) =	ssettm $0x1  }
0x92: {  	s4 =	sld [smem:$0x3FFB];
	_ =	sdelay $0x3  }
0x93: {  	_ =	strace s4  }
0x94: {  	s4 =	sld [smem:$0x3FFC];
	_ =	sdelay $0x3  }
0x95: {  	_ =	strace s4  }
0x96: {  	s4 =	sld [smem:$0x3FFD];
	_ =	sdelay $0x3  }
0x97: {  	_ =	strace s4  }
0x98: {  	_ =	strace $0x8FFFFFFF  }
0x99: {  	s19 =	sld [smem:$0x3FDB];
	_ =	sdelay $0x1  }
0x9a: {  	s5 =	simm.s32 $_scs_section_size  }
0x9b: {  	s6 =	simm.s32 $_size__tile_overlayer_lowered;
	s7 =	simm.s32 $_tile_overlayer_lowered  }
0x9c: {  	s22 =	simm.s32 $0x1BFF;
	s21 =	sshll.u32 s7, $0x1;
	s4 =	sadd.s32 s5, s19  }
0x9d: {  	s8 =	simm.s32 $0x0;
	s20 =	sshll.u32 s6, $0x1;
	s6 =	sadd.s32 s21, s4  }
0x9e: {  	[timem:s8], [sflag:s22] =	dma.local [hbm:s6], s20  }
0x9f: {  	_ =	swait.ge [sflag:s22], s20  }
0xa0: {  	s5 =	ssub.s32 $0x0, s20;
	[sflag:s22] =	ssyncset.done $0x0  }
0xa1: {  	[sflag:s22] =	ssyncadd.s32 s5;
	_ =	sdelay $0x1  }
0xa2: {  	s23 =	simm.s32 $0x1B8B  }
0xa3: {  	_ =	swait.ge [sflag:s23], $0x1  }
0xa4: {  	[sflag:s23] =	ssyncset.done $0x0  }
0xa5: {  	s25 =	simm.s32 $0x1B8E;
	s24 =	sld [smem:$0x3FFE];
	[sflag:s23] =	ssyncadd.s32 $0xFFFFFFFF  }
0xa6: {  	s26 =	simm.s32 $execute0_lowered;
	[smem:$0x3FD2] =	sst s25  }
0xa7: {  	s6 =	sshll.u32 s26, $0x1;
	_ =	strace $0x80000046;
	[dreg:$0x1] =	wrdreg $0xFFFFFFFF  }
0xa8: {  	s28 =	simm.s32 $_size_execute0_lowered;
	s4 =	sadd.s32 s4, s6;
	[dreg:$0x0] =	wrdreg $0x0  }
0xa9: {  	s6 =	sshll.u32 s28, $0x1;
	[dreg:$0x2] =	wrdreg s4  }
0xaa: {  	[dreg:$0x3] =	wrdreg s6  }
0xab: {  	[dreg:$0x4] =	wrdreg $0xC0  }
0xac: {  	_ =	task [dreg:s8], $0x5FFFF  }
0xad: {  	[dreg:$0x1] =	wrdreg $0xFFFFFFFF  }
0xae: {  	[dreg:$0x0] =	wrdreg $0x60  }
0xaf: {  	[dreg:$0x2] =	wrdreg s24  }
0xb0: {  	[dreg:$0x3] =	wrdreg s2  }
0xb1: {  	[dreg:$0x4] =	wrdreg s18  }
0xb2: {  	[dreg:$0x5] =	wrdreg $0x9  }
0xb3: {  	_ =	task.clear_ibuf [dreg:s8], $0x6FFFF;
	_ =	strace $0x90000046  }
0xb4: {  	s29 =	simm.s32 $0x9;
	_ =	strace $0x80000048  }
0xb5: {  	_ =	swait.ge [sflag:s29], $0x1  }
0xb6: {  	[sflag:s29] =	ssyncadd.s32 $0xFFFFFFFF  }
0xb7: {  	_ =	strace $0x90000048  }
0xb8: {  	_ =	sfence  }
0xb9: {  	s30 =	sld [smem:$0x0];
	_ =	sdelay $0x2  }
0xba: {  	s31 =	sshll.u32 s1, $0xD;
	s1 =	sshrl.u32 s1, $0x2  }
0xbb: {  	s3 =	sand.u32 $0x4000, s31;
	s1 =	sadd.s32 s1, s30  }
0xbc: {  	s0 =	sor.u32 s3, s0;
	s1 =	sshll.u32 s1, $0x11  }
0xbd: {  	s0 =	sor.u32 s1, s0  }
0xbe: {  	s0 =	sadd.s32 $0x8F2B, s0  }
0xbf: {  	[sflag:s0] =	ssyncadd.remote.s32 $0x1  }
0xc0: {  	_ =	sfence.sel $0xFFFF  }
0xc1: {  	[dreg:$0x0] =	wrdreg $0xFFFFFFFF;
	(pc) =	sbr.abs _section_cstart, $3  }
0xc2: {  	[dreg:$0x1] =	wrdreg $0xFFFFFFFF  }
0xc3: {  	_ =	task.clear_ibuf [dreg:s8], $0x2FFFF;
	_ =	strace $0x9FFFFFFF  }
0xc4: {  	(tm) =	ssettm $0x7FFFFFFF  }
0xc5: {  	_ =	shalt  }
tec
execute0_lowered:
.L_overlay_start_1:
0x0: {  	(tag) =	ssettag $0x1  }
0x1: {  	s0 =	rddreg [dreg:$0x0]  }
0x2: {  	s1 =	srdreg.scid;
	s2 =	rddreg [dreg:$0x1]  }
0x3: {  	s13 =	stileid.u32;
	s4 =	rddreg [dreg:$0x2];
	s30 =	simm.s32 $0x400  }
0x4: {  	s31 =	simm.s32 $0x9400;
	s18 =	simm.s32 $0x9C00;
	s15 =	simm.s32 $0x4  }
0x5: {  	s16 =	simm.s32 $0x5;
	s28 =	simm.s32 $0x6;
	s17 =	simm.s32 $0x7  }
0x6: {  	s29 =	simm.s32 $0x8;
	s19 =	simm.s32 $0x9;
	s20 =	simm.s32 $0x0  }
0x7: {  	s1 =	sand.u32 $0x1, s1;
	s3 =	sshll.u32 s13, $0xB;
	s7 =	sadd.s32 $0x300, s2  }
0x8: {  	s8 =	sadd.s32 $0x400, s2;
	s9 =	sadd.s32 $0x500, s2;
	s11 =	sadd.s32 $0x700, s2  }
0x9: {  	s13 =	sshll.u32 s13, $0x13;
	s5 =	sshll.u32 s1, $0xA;
	s6 =	ssub.s32 $0x2, s1  }
0xa: {  	s1 =	sshll.u32 s1, $0x12;
	s10 =	sor.u32 s5, s3;
	s3 =	simm.s32 $0x0  }
0xb: {  	s21 =	sshrl.u32 s6, $0x1;
	s5 =	sshrl.u32 s10, $0x3;
	[smem:$0x7FF] =	sst s3  }
0xc: {  	s12 =	ssub.s32 s6, s21;
	s6 =	sadd.s32 $0x200, s2;
	s22 =	sshll.u32 s10, $0x8  }
0xd: {  	s10 =	sadd.s32 $0x600, s2;
	s21 =	simm.s32 $0x8C00;
	s0 =	sadd.s32 s5, s0  }
0xe: {  	_ =	strace $0x80000047;
	s25 =	smax.u32 s12, $0x1;
	[dreg:$0xb] =	wrdreg s20  }
0xf: {  	s5 =	sadd.s32 $0x100, s2;
	s0 =	sadd.s32 $0x400, s0;
	[dreg:$0xa] =	wrdreg s25  }
0x10: {  	s12 =	simm.s32 $0x8400;
	[dreg:$0x5] =	wrdreg s0;
	s0 =	sadd.s32 s22, s4  }
0x11: {  	s25 =	simm.s32 $0x3;
	s4 =	sadd.s32 s13, s4;
	s14 =	sadd.s32 $0x3C000, s0  }
0x12: {  	s22 =	simm.s32 $0xA400;
	s23 =	sadd.s32 $0x3D000, s0;
	[dreg:$0x6] =	wrdreg s14  }
0x13: {  	s13 =	simm.s32 $0xC400;
	s24 =	sadd.s32 $0x3E000, s0;
	[dreg:$0x7] =	wrdreg s23  }
0x14: {  	s0 =	sadd.s32 $0x3F000, s0;
	s26 =	sadd.s32 s1, s4;
	[dreg:$0x8] =	wrdreg s24  }
0x15: {  	v0 =	vlaneseq.u32;
	s4 =	simm.s32 $0xBC00;
	s1 =	simm.s32 $0x10400;
	[dreg:$0x9] =	wrdreg s0  }
0x16: {  	v1 =	vshrl.u32 v0, $0x3;
	[dreg:$0x4] =	wrdreg s26;
	s0 =	simm.s32 $0xAC00;
	s23 =	simm.s32 $0xB400  }
0x17: {  	vm0 =	vmmov $0xffff;
	v0 =	vand.u32 $0x7, v0;
	v1 =	vmul.u32 $0x8, v1;
	s26 =	simm.s32 $0xD400;
	s24 =	simm.s32 $0x1;
	s14 =	simm.s32 $0x2  }
.LBB2_1:
0x18: {  	s20 =	rddreg [dreg:$0x5]  }
0x19: {  	[tilespmem:s3], [sflag:$0xA] =	stream.linear.gather [hbm4b:s20+s3], $0x400, $0x38;
	[tilespmem:$0x18400] =	vst v63  }
0x1a: {  	s20 =	simm.s32 $0xA  }
0x1b: {  	_ =	swait.ge [sflag:s20], $0x400  }
0x1c: {  	[sflag:s20] =	ssyncset.done $0x0  }
0x1d: {  	[sflag:s20] =	ssyncadd.s32 $0xFFFFFC00  }
0x1e: {  	v2 =	vld.msk [tilespmem:$0x0], $0xff;
	_ =	sdelay $0x4  }
0x1f: {  	v3 =	vshll.u32 v2, $0x4  }
0x20: {  	v2 =	vand.u32 $0x7, v2;
	v3 =	vand.u32 $0xFFFFFF80, v3  }
0x21: {  	v2 =	vor.u32 v2, v3  }
0x22: {  	v2 =	vperm.xlane v2, v0;
	_ =	sdelay $0x1  }
0x23: {  	v2 =	vadd.s32 v1, v2;
	_ =	sdelay $0x4  }
0x24: {  	[tilespmem:s30], [sflag:$0x1] =	stream.indirect_vreg.gather [hbm4b:s2+s3], $0x80, v2, vm0, $0xb8;
	[tilespmem:$0x18400] =	vst v63  }
0x25: {  	s20 =	simm.s32 $0xC00  }
0x26: {  	[tilespmem:s20], [sflag:$0x1] =	stream.indirect_vreg.gather [hbm4b:s5+s3], $0x80, v2, vm0, $0xb8;
	[tilespmem:$0x18400] =	vst v63  }
0x27: {  	s20 =	simm.s32 $0x1400  }
0x28: {  	[tilespmem:s20], [sflag:$0x1] =	stream.indirect_vreg.gather [hbm4b:s6+s3], $0x80, v2, vm0, $0xb8;
	[tilespmem:$0x18400] =	vst v63  }
0x29: {  	s20 =	simm.s32 $0x1C00  }
0x2a: {  	[tilespmem:s20], [sflag:$0x1] =	stream.indirect_vreg.gather [hbm4b:s7+s3], $0x80, v2, vm0, $0xb8;
	[tilespmem:$0x18400] =	vst v63  }
0x2b: {  	s20 =	simm.s32 $0x2400  }
0x2c: {  	[tilespmem:s20], [sflag:$0x1] =	stream.indirect_vreg.gather [hbm4b:s8+s3], $0x80, v2, vm0, $0xb8;
	[tilespmem:$0x18400] =	vst v63  }
0x2d: {  	s20 =	simm.s32 $0x2C00  }
0x2e: {  	[tilespmem:s20], [sflag:$0x1] =	stream.indirect_vreg.gather [hbm4b:s9+s3], $0x80, v2, vm0, $0xb8;
	[tilespmem:$0x18400] =	vst v63  }
0x2f: {  	s20 =	simm.s32 $0x3400  }
0x30: {  	[tilespmem:s20], [sflag:$0x1] =	stream.indirect_vreg.gather [hbm4b:s10+s3], $0x80, v2, vm0, $0xb8;
	[tilespmem:$0x18400] =	vst v63  }
0x31: {  	s20 =	simm.s32 $0x3C00  }
0x32: {  	[tilespmem:s20], [sflag:$0x1] =	stream.indirect_vreg.gather [hbm4b:s11+s3], $0x80, v2, vm0, $0xb8;
	[tilespmem:$0x18400] =	vst v63  }
0x33: {  	v2 =	vld.msk [tilespmem:$0x8], $0xff;
	_ =	sdelay $0x4  }
0x34: {  	v3 =	vshll.u32 v2, $0x4  }
0x35: {  	v2 =	vand.u32 $0x7, v2;
	v3 =	vand.u32 $0xFFFFFF80, v3  }
0x36: {  	v2 =	vor.u32 v2, v3  }
0x37: {  	v2 =	vperm.xlane v2, v0;
	_ =	sdelay $0x1  }
0x38: {  	v2 =	vadd.s32 v1, v2;
	_ =	sdelay $0x3  }
0x39: {  	s20 =	simm.s32 $0x4400  }
0x3a: {  	[tilespmem:s20], [sflag:$0x2] =	stream.indirect_vreg.gather [hbm4b:s2+s3], $0x80, v2, vm0, $0xb8;
	[tilespmem:$0x18400] =	vst v63  }
0x3b: {  	s20 =	simm.s32 $0x4C00  }
0x3c: {  	[tilespmem:s20], [sflag:$0x2] =	stream.indirect_vreg.gather [hbm4b:s5+s3], $0x80, v2, vm0, $0xb8;
	[tilespmem:$0x18400] =	vst v63  }
0x3d: {  	s20 =	simm.s32 $0x5400  }
0x3e: {  	[tilespmem:s20], [sflag:$0x2] =	stream.indirect_vreg.gather [hbm4b:s6+s3], $0x80, v2, vm0, $0xb8;
	[tilespmem:$0x18400] =	vst v63  }
0x3f: {  	s20 =	simm.s32 $0x5C00  }
0x40: {  	[tilespmem:s20], [sflag:$0x2] =	stream.indirect_vreg.gather [hbm4b:s7+s3], $0x80, v2, vm0, $0xb8;
	[tilespmem:$0x18400] =	vst v63  }
0x41: {  	s20 =	simm.s32 $0x6400  }
0x42: {  	[tilespmem:s20], [sflag:$0x2] =	stream.indirect_vreg.gather [hbm4b:s8+s3], $0x80, v2, vm0, $0xb8;
	[tilespmem:$0x18400] =	vst v63  }
0x43: {  	s20 =	simm.s32 $0x6C00  }
0x44: {  	[tilespmem:s20], [sflag:$0x2] =	stream.indirect_vreg.gather [hbm4b:s9+s3], $0x80, v2, vm0, $0xb8;
	[tilespmem:$0x18400] =	vst v63  }
0x45: {  	s20 =	simm.s32 $0x7400  }
0x46: {  	[tilespmem:s20], [sflag:$0x2] =	stream.indirect_vreg.gather [hbm4b:s10+s3], $0x80, v2, vm0, $0xb8;
	[tilespmem:$0x18400] =	vst v63  }
0x47: {  	s20 =	simm.s32 $0x7C00  }
0x48: {  	[tilespmem:s20], [sflag:$0x2] =	stream.indirect_vreg.gather [hbm4b:s11+s3], $0x80, v2, vm0, $0xb8;
	[tilespmem:$0x18400] =	vst v63  }
0x49: {  	v2 =	vld.msk [tilespmem:$0x10], $0xff;
	_ =	sdelay $0x4  }
0x4a: {  	v3 =	vshll.u32 v2, $0x4  }
0x4b: {  	v2 =	vand.u32 $0x7, v2;
	v3 =	vand.u32 $0xFFFFFF80, v3  }
0x4c: {  	v2 =	vor.u32 v2, v3  }
0x4d: {  	v2 =	vperm.xlane v2, v0;
	_ =	sdelay $0x1  }
0x4e: {  	v2 =	vadd.s32 v1, v2;
	_ =	sdelay $0x4  }
0x4f: {  	[tilespmem:s12], [sflag:$0x3] =	stream.indirect_vreg.gather [hbm4b:s2+s3], $0x80, v2, vm0, $0xb8;
	[tilespmem:$0x18400] =	vst v63  }
0x50: {  	_ = 	snop  }
0x51: {  	[tilespmem:s21], [sflag:$0x3] =	stream.indirect_vreg.gather [hbm4b:s5+s3], $0x80, v2, vm0, $0xb8;
	[tilespmem:$0x18400] =	vst v63  }
0x52: {  	_ = 	snop  }
0x53: {  	[tilespmem:s31], [sflag:$0x3] =	stream.indirect_vreg.gather [hbm4b:s6+s3], $0x80, v2, vm0, $0xb8;
	[tilespmem:$0x18400] =	vst v63  }
0x54: {  	_ = 	snop  }
0x55: {  	[tilespmem:s18], [sflag:$0x3] =	stream.indirect_vreg.gather [hbm4b:s7+s3], $0x80, v2, vm0, $0xb8;
	[tilespmem:$0x18400] =	vst v63  }
0x56: {  	_ = 	snop  }
0x57: {  	[tilespmem:s22], [sflag:$0x3] =	stream.indirect_vreg.gather [hbm4b:s8+s3], $0x80, v2, vm0, $0xb8;
	[tilespmem:$0x18400] =	vst v63  }
0x58: {  	_ = 	snop  }
0x59: {  	[tilespmem:s0], [sflag:$0x3] =	stream.indirect_vreg.gather [hbm4b:s9+s3], $0x80, v2, vm0, $0xb8;
	[tilespmem:$0x18400] =	vst v63  }
0x5a: {  	_ = 	snop  }
0x5b: {  	[tilespmem:s23], [sflag:$0x3] =	stream.indirect_vreg.gather [hbm4b:s10+s3], $0x80, v2, vm0, $0xb8;
	[tilespmem:$0x18400] =	vst v63  }
0x5c: {  	_ = 	snop  }
0x5d: {  	[tilespmem:s4], [sflag:$0x3] =	stream.indirect_vreg.gather [hbm4b:s11+s3], $0x80, v2, vm0, $0xb8;
	[tilespmem:$0x18400] =	vst v63  }
0x5e: {  	v2 =	vld.msk [tilespmem:$0x18], $0xff;
	_ =	sdelay $0x4  }
0x5f: {  	v3 =	vshll.u32 v2, $0x4  }
0x60: {  	v2 =	vand.u32 $0x7, v2;
	v3 =	vand.u32 $0xFFFFFF80, v3  }
0x61: {  	v2 =	vor.u32 v2, v3  }
0x62: {  	v2 =	vperm.xlane v2, v0;
	_ =	sdelay $0x1  }
0x63: {  	v2 =	vadd.s32 v1, v2;
	_ =	sdelay $0x4  }
0x64: {  	[tilespmem:s13], [sflag:$0x4] =	stream.indirect_vreg.gather [hbm4b:s2+s3], $0x80, v2, vm0, $0xb8;
	[tilespmem:$0x18400] =	vst v63  }
0x65: {  	s18 =	simm.s32 $0xCC00  }
0x66: {  	[tilespmem:s18], [sflag:$0x4] =	stream.indirect_vreg.gather [hbm4b:s5+s3], $0x80, v2, vm0, $0xb8;
	[tilespmem:$0x18400] =	vst v63  }
0x67: {  	_ = 	snop  }
0x68: {  	[tilespmem:s26], [sflag:$0x4] =	stream.indirect_vreg.gather [hbm4b:s6+s3], $0x80, v2, vm0, $0xb8;
	[tilespmem:$0x18400] =	vst v63  }
0x69: {  	s20 =	simm.s32 $0xDC00  }
0x6a: {  	[tilespmem:s20], [sflag:$0x4] =	stream.indirect_vreg.gather [hbm4b:s7+s3], $0x80, v2, vm0, $0xb8;
	[tilespmem:$0x18400] =	vst v63  }
0x6b: {  	s21 =	simm.s32 $0xE400  }
0x6c: {  	[tilespmem:s21], [sflag:$0x4] =	stream.indirect_vreg.gather [hbm4b:s8+s3], $0x80, v2, vm0, $0xb8;
	[tilespmem:$0x18400] =	vst v63  }
0x6d: {  	s22 =	simm.s32 $0xEC00  }
0x6e: {  	[tilespmem:s22], [sflag:$0x4] =	stream.indirect_vreg.gather [hbm4b:s9+s3], $0x80, v2, vm0, $0xb8;
	[tilespmem:$0x18400] =	vst v63  }
0x6f: {  	s23 =	simm.s32 $0xF400  }
0x70: {  	[tilespmem:s23], [sflag:$0x4] =	stream.indirect_vreg.gather [hbm4b:s10+s3], $0x80, v2, vm0, $0xb8;
	[tilespmem:$0x18400] =	vst v63  }
0x71: {  	s26 =	simm.s32 $0xFC00  }
0x72: {  	[tilespmem:s26], [sflag:$0x4] =	stream.indirect_vreg.gather [hbm4b:s11+s3], $0x80, v2, vm0, $0xb8;
	[tilespmem:$0x18400] =	vst v63  }
0x73: {  	v2 =	vld.msk [tilespmem:$0x20], $0xff;
	_ =	sdelay $0x4  }
0x74: {  	v3 =	vshll.u32 v2, $0x4  }
0x75: {  	v2 =	vand.u32 $0x7, v2;
	v3 =	vand.u32 $0xFFFFFF80, v3  }
0x76: {  	v2 =	vor.u32 v2, v3  }
0x77: {  	v2 =	vperm.xlane v2, v0;
	_ =	sdelay $0x1  }
0x78: {  	v2 =	vadd.s32 v1, v2;
	_ =	sdelay $0x4  }
0x79: {  	[tilespmem:s1], [sflag:$0x5] =	stream.indirect_vreg.gather [hbm4b:s2+s3], $0x80, v2, vm0, $0xb8;
	[tilespmem:$0x18400] =	vst v63  }
0x7a: {  	s31 =	simm.s32 $0x10C00  }
0x7b: {  	[tilespmem:s31], [sflag:$0x5] =	stream.indirect_vreg.gather [hbm4b:s5+s3], $0x80, v2, vm0, $0xb8;
	[tilespmem:$0x18400] =	vst v63  }
0x7c: {  	s1 =	simm.s32 $0x11400  }
0x7d: {  	[tilespmem:s1], [sflag:$0x5] =	stream.indirect_vreg.gather [hbm4b:s6+s3], $0x80, v2, vm0, $0xb8;
	[tilespmem:$0x18400] =	vst v63  }
0x7e: {  	s4 =	simm.s32 $0x11C00  }
0x7f: {  	[tilespmem:s4], [sflag:$0x5] =	stream.indirect_vreg.gather [hbm4b:s7+s3], $0x80, v2, vm0, $0xb8;
	[tilespmem:$0x18400] =	vst v63  }
0x80: {  	s12 =	simm.s32 $0x12400  }
0x81: {  	[tilespmem:s12], [sflag:$0x5] =	stream.indirect_vreg.gather [hbm4b:s8+s3], $0x80, v2, vm0, $0xb8;
	[tilespmem:$0x18400] =	vst v63  }
0x82: {  	s13 =	simm.s32 $0x12C00  }
0x83: {  	[tilespmem:s13], [sflag:$0x5] =	stream.indirect_vreg.gather [hbm4b:s9+s3], $0x80, v2, vm0, $0xb8;
	[tilespmem:$0x18400] =	vst v63  }
0x84: {  	s18 =	simm.s32 $0x13400  }
0x85: {  	[tilespmem:s18], [sflag:$0x5] =	stream.indirect_vreg.gather [hbm4b:s10+s3], $0x80, v2, vm0, $0xb8;
	[tilespmem:$0x18400] =	vst v63  }
0x86: {  	s20 =	simm.s32 $0x13C00  }
0x87: {  	[tilespmem:s20], [sflag:$0x5] =	stream.indirect_vreg.gather [hbm4b:s11+s3], $0x80, v2, vm0, $0xb8;
	[tilespmem:$0x18400] =	vst v63  }
0x88: {  	v2 =	vld.msk [tilespmem:$0x28], $0xff;
	_ =	sdelay $0x4  }
0x89: {  	v3 =	vshll.u32 v2, $0x4  }
0x8a: {  	v2 =	vand.u32 $0x7, v2;
	v3 =	vand.u32 $0xFFFFFF80, v3  }
0x8b: {  	v2 =	vor.u32 v2, v3  }
0x8c: {  	v2 =	vperm.xlane v2, v0;
	_ =	sdelay $0x1  }
0x8d: {  	v2 =	vadd.s32 v1, v2;
	_ =	sdelay $0x3  }
0x8e: {  	s21 =	simm.s32 $0x14400  }
0x8f: {  	[tilespmem:s21], [sflag:$0x6] =	stream.indirect_vreg.gather [hbm4b:s2+s3], $0x80, v2, vm0, $0xb8;
	[tilespmem:$0x18400] =	vst v63  }
0x90: {  	s22 =	simm.s32 $0x14C00  }
0x91: {  	[tilespmem:s22], [sflag:$0x6] =	stream.indirect_vreg.gather [hbm4b:s5+s3], $0x80, v2, vm0, $0xb8;
	[tilespmem:$0x18400] =	vst v63  }
0x92: {  	s23 =	simm.s32 $0x15400  }
0x93: {  	[tilespmem:s23], [sflag:$0x6] =	stream.indirect_vreg.gather [hbm4b:s6+s3], $0x80, v2, vm0, $0xb8;
	[tilespmem:$0x18400] =	vst v63  }
0x94: {  	s26 =	simm.s32 $0x15C00  }
0x95: {  	[tilespmem:s26], [sflag:$0x6] =	stream.indirect_vreg.gather [hbm4b:s7+s3], $0x80, v2, vm0, $0xb8;
	[tilespmem:$0x18400] =	vst v63  }
0x96: {  	s31 =	simm.s32 $0x16400  }
0x97: {  	[tilespmem:s31], [sflag:$0x6] =	stream.indirect_vreg.gather [hbm4b:s8+s3], $0x80, v2, vm0, $0xb8;
	[tilespmem:$0x18400] =	vst v63  }
0x98: {  	s0 =	simm.s32 $0x16C00  }
0x99: {  	[tilespmem:s0], [sflag:$0x6] =	stream.indirect_vreg.gather [hbm4b:s9+s3], $0x80, v2, vm0, $0xb8;
	[tilespmem:$0x18400] =	vst v63  }
0x9a: {  	s30 =	simm.s32 $0x58;
	s4 =	simm.s32 $0x17C00;
	s23 =	simm.s32 $0x17400  }
0x9b: {  	[tilespmem:s23], [sflag:$0x6] =	stream.indirect_vreg.gather [hbm4b:s10+s3], $0x80, v2, vm0, $0xb8;
	[tilespmem:$0x18400] =	vst v63  }
0x9c: {  	s13 =	simm.s32 $0xC400;
	s18 =	simm.s32 $0xCC00;
	s20 =	simm.s32 $0x0  }
0x9d: {  	[tilespmem:s4], [sflag:$0x6] =	stream.indirect_vreg.gather [hbm4b:s11+s3], $0x80, v2, vm0, $0xb8;
	[tilespmem:$0x18400] =	vst v63  }
.LBB2_2:
0x9e: {  	_ =	swait.ge [sflag:s24], $0x4000  }
0x9f: {  	[sflag:s24] =	ssyncset.done $0x0  }
0xa0: {  	[sflag:s24] =	ssyncadd.s32 $0xFFFFC000  }
0xa1: {  	_ =	swait.ge [sflag:s14], $0x4000  }
0xa2: {  	s31 =	rddreg [dreg:$0x4];
	[sflag:s14] =	ssyncset.done $0x0  }
0xa3: {  	s12 =	simm.s32 $0x400;
	[sflag:s14] =	ssyncadd.s32 $0xFFFFC000;
	s31 =	sadd.s32 s20, s31  }
0xa4: {  	[hbm4b:s31+s3] =	stream.linear.scatter [tilespmem:s12], [sflag:$0x7], $0x8000, $0x38;
	[tilespmem:$0x18400] =	vst v63  }
0xa5: {  	_ =	swait.ge [sflag:s25], $0x4000  }
0xa6: {  	[sflag:s25] =	ssyncset.done $0x0  }
0xa7: {  	[sflag:s25] =	ssyncadd.s32 $0xFFFFC000  }
0xa8: {  	_ =	swait.ge [sflag:s15], $0x4000  }
0xa9: {  	[sflag:s15] =	ssyncset.done $0x0  }
0xaa: {  	s26 =	simm.s32 $0x8400;
	s21 =	sadd.s32 $0x1000, s31;
	[sflag:s15] =	ssyncadd.s32 $0xFFFFC000  }
0xab: {  	[hbm4b:s21+s3] =	stream.linear.scatter [tilespmem:s26], [sflag:$0x8], $0x8000, $0x38;
	[tilespmem:$0x18400] =	vst v63  }
0xac: {  	_ =	swait.ge [sflag:s16], $0x4000  }
0xad: {  	[sflag:s16] =	ssyncset.done $0x0  }
0xae: {  	[sflag:s16] =	ssyncadd.s32 $0xFFFFC000  }
0xaf: {  	_ =	swait.ge [sflag:s28], $0x4000  }
0xb0: {  	[sflag:s28] =	ssyncset.done $0x0  }
0xb1: {  	s22 =	simm.s32 $0x10400;
	s1 =	sadd.s32 $0x2000, s31;
	[sflag:s28] =	ssyncadd.s32 $0xFFFFC000  }
0xb2: {  	[hbm4b:s1+s3] =	stream.linear.scatter [tilespmem:s22], [sflag:$0x9], $0x8000, $0x38;
	[tilespmem:$0x18400] =	vst v63  }
0xb3: {  	_ =	swait.ge [sflag:s17], $0x8000  }
0xb4: {  	[sflag:s17] =	ssyncset.done $0x0  }
0xb5: {  	[sflag:s17] =	ssyncadd.s32 $0xFFFF8000  }
0xb6: {  	v2 =	vld.msk [tilespmem:s30+$0xFFFFFFD8], $0xff;
	_ =	sdelay $0x4  }
0xb7: {  	v3 =	vshll.u32 v2, $0x4  }
0xb8: {  	v2 =	vand.u32 $0x7, v2;
	v3 =	vand.u32 $0xFFFFFF80, v3  }
0xb9: {  	v2 =	vor.u32 v2, v3  }
0xba: {  	v2 =	vperm.xlane v2, v0;
	_ =	sdelay $0x1  }
0xbb: {  	v2 =	vadd.s32 v1, v2;
	_ =	sdelay $0x4  }
0xbc: {  	[tilespmem:s12], [sflag:$0x1] =	stream.indirect_vreg.gather [hbm4b:s2+s3], $0x80, v2, vm0, $0xb8;
	[tilespmem:$0x18400] =	vst v63  }
0xbd: {  	s12 =	simm.s32 $0xC00  }
0xbe: {  	[tilespmem:s12], [sflag:$0x1] =	stream.indirect_vreg.gather [hbm4b:s5+s3], $0x80, v2, vm0, $0xb8;
	[tilespmem:$0x18400] =	vst v63  }
0xbf: {  	s1 =	simm.s32 $0x1400  }
0xc0: {  	[tilespmem:s1], [sflag:$0x1] =	stream.indirect_vreg.gather [hbm4b:s6+s3], $0x80, v2, vm0, $0xb8;
	[tilespmem:$0x18400] =	vst v63  }
0xc1: {  	s12 =	simm.s32 $0x1C00  }
0xc2: {  	[tilespmem:s12], [sflag:$0x1] =	stream.indirect_vreg.gather [hbm4b:s7+s3], $0x80, v2, vm0, $0xb8;
	[tilespmem:$0x18400] =	vst v63  }
0xc3: {  	s1 =	simm.s32 $0x2400  }
0xc4: {  	[tilespmem:s1], [sflag:$0x1] =	stream.indirect_vreg.gather [hbm4b:s8+s3], $0x80, v2, vm0, $0xb8;
	[tilespmem:$0x18400] =	vst v63  }
0xc5: {  	s12 =	simm.s32 $0x2C00  }
0xc6: {  	[tilespmem:s12], [sflag:$0x1] =	stream.indirect_vreg.gather [hbm4b:s9+s3], $0x80, v2, vm0, $0xb8;
	[tilespmem:$0x18400] =	vst v63  }
0xc7: {  	s1 =	simm.s32 $0x3400  }
0xc8: {  	[tilespmem:s1], [sflag:$0x1] =	stream.indirect_vreg.gather [hbm4b:s10+s3], $0x80, v2, vm0, $0xb8;
	[tilespmem:$0x18400] =	vst v63  }
0xc9: {  	s12 =	simm.s32 $0x3C00  }
0xca: {  	[tilespmem:s12], [sflag:$0x1] =	stream.indirect_vreg.gather [hbm4b:s11+s3], $0x80, v2, vm0, $0xb8;
	[tilespmem:$0x18400] =	vst v63  }
0xcb: {  	v2 =	vld.msk [tilespmem:s30+$0xFFFFFFE0], $0xff;
	_ =	sdelay $0x4  }
0xcc: {  	v3 =	vshll.u32 v2, $0x4  }
0xcd: {  	v2 =	vand.u32 $0x7, v2;
	v3 =	vand.u32 $0xFFFFFF80, v3  }
0xce: {  	v2 =	vor.u32 v2, v3  }
0xcf: {  	v2 =	vperm.xlane v2, v0;
	_ =	sdelay $0x1  }
0xd0: {  	v2 =	vadd.s32 v1, v2;
	_ =	sdelay $0x3  }
0xd1: {  	s1 =	simm.s32 $0x4400  }
0xd2: {  	[tilespmem:s1], [sflag:$0x2] =	stream.indirect_vreg.gather [hbm4b:s2+s3], $0x80, v2, vm0, $0xb8;
	[tilespmem:$0x18400] =	vst v63  }
0xd3: {  	s12 =	simm.s32 $0x4C00  }
0xd4: {  	[tilespmem:s12], [sflag:$0x2] =	stream.indirect_vreg.gather [hbm4b:s5+s3], $0x80, v2, vm0, $0xb8;
	[tilespmem:$0x18400] =	vst v63  }
0xd5: {  	s1 =	simm.s32 $0x5400  }
0xd6: {  	[tilespmem:s1], [sflag:$0x2] =	stream.indirect_vreg.gather [hbm4b:s6+s3], $0x80, v2, vm0, $0xb8;
	[tilespmem:$0x18400] =	vst v63  }
0xd7: {  	s12 =	simm.s32 $0x5C00  }
0xd8: {  	[tilespmem:s12], [sflag:$0x2] =	stream.indirect_vreg.gather [hbm4b:s7+s3], $0x80, v2, vm0, $0xb8;
	[tilespmem:$0x18400] =	vst v63  }
0xd9: {  	s1 =	simm.s32 $0x6400  }
0xda: {  	[tilespmem:s1], [sflag:$0x2] =	stream.indirect_vreg.gather [hbm4b:s8+s3], $0x80, v2, vm0, $0xb8;
	[tilespmem:$0x18400] =	vst v63  }
0xdb: {  	s12 =	simm.s32 $0x6C00  }
0xdc: {  	[tilespmem:s12], [sflag:$0x2] =	stream.indirect_vreg.gather [hbm4b:s9+s3], $0x80, v2, vm0, $0xb8;
	[tilespmem:$0x18400] =	vst v63  }
0xdd: {  	s1 =	simm.s32 $0x7400  }
0xde: {  	[tilespmem:s1], [sflag:$0x2] =	stream.indirect_vreg.gather [hbm4b:s10+s3], $0x80, v2, vm0, $0xb8;
	[tilespmem:$0x18400] =	vst v63  }
0xdf: {  	s12 =	simm.s32 $0x7C00  }
0xe0: {  	[tilespmem:s12], [sflag:$0x2] =	stream.indirect_vreg.gather [hbm4b:s11+s3], $0x80, v2, vm0, $0xb8;
	[tilespmem:$0x18400] =	vst v63  }
0xe1: {  	_ =	swait.ge [sflag:s29], $0x8000  }
0xe2: {  	[sflag:s29] =	ssyncset.done $0x0  }
0xe3: {  	[sflag:s29] =	ssyncadd.s32 $0xFFFF8000  }
0xe4: {  	v2 =	vld.msk [tilespmem:s30+$0xFFFFFFE8], $0xff;
	_ =	sdelay $0x4  }
0xe5: {  	v3 =	vshll.u32 v2, $0x4  }
0xe6: {  	v2 =	vand.u32 $0x7, v2;
	v3 =	vand.u32 $0xFFFFFF80, v3  }
0xe7: {  	v2 =	vor.u32 v2, v3  }
0xe8: {  	v2 =	vperm.xlane v2, v0;
	_ =	sdelay $0x1  }
0xe9: {  	v2 =	vadd.s32 v1, v2;
	_ =	sdelay $0x4  }
0xea: {  	[tilespmem:s26], [sflag:$0x3] =	stream.indirect_vreg.gather [hbm4b:s2+s3], $0x80, v2, vm0, $0xb8;
	[tilespmem:$0x18400] =	vst v63  }
0xeb: {  	s21 =	simm.s32 $0x8C00  }
0xec: {  	[tilespmem:s21], [sflag:$0x3] =	stream.indirect_vreg.gather [hbm4b:s5+s3], $0x80, v2, vm0, $0xb8;
	[tilespmem:$0x18400] =	vst v63  }
0xed: {  	s31 =	simm.s32 $0x9400  }
0xee: {  	[tilespmem:s31], [sflag:$0x3] =	stream.indirect_vreg.gather [hbm4b:s6+s3], $0x80, v2, vm0, $0xb8;
	[tilespmem:$0x18400] =	vst v63  }
0xef: {  	s1 =	simm.s32 $0x9C00  }
0xf0: {  	[tilespmem:s1], [sflag:$0x3] =	stream.indirect_vreg.gather [hbm4b:s7+s3], $0x80, v2, vm0, $0xb8;
	[tilespmem:$0x18400] =	vst v63  }
0xf1: {  	s1 =	simm.s32 $0xA400  }
0xf2: {  	[tilespmem:s1], [sflag:$0x3] =	stream.indirect_vreg.gather [hbm4b:s8+s3], $0x80, v2, vm0, $0xb8;
	[tilespmem:$0x18400] =	vst v63  }
0xf3: {  	s1 =	simm.s32 $0xAC00  }
0xf4: {  	[tilespmem:s1], [sflag:$0x3] =	stream.indirect_vreg.gather [hbm4b:s9+s3], $0x80, v2, vm0, $0xb8;
	[tilespmem:$0x18400] =	vst v63  }
0xf5: {  	s1 =	simm.s32 $0xB400  }
0xf6: {  	[tilespmem:s1], [sflag:$0x3] =	stream.indirect_vreg.gather [hbm4b:s10+s3], $0x80, v2, vm0, $0xb8;
	[tilespmem:$0x18400] =	vst v63  }
0xf7: {  	s1 =	simm.s32 $0xBC00  }
0xf8: {  	[tilespmem:s1], [sflag:$0x3] =	stream.indirect_vreg.gather [hbm4b:s11+s3], $0x80, v2, vm0, $0xb8;
	[tilespmem:$0x18400] =	vst v63  }
0xf9: {  	v2 =	vld.msk [tilespmem:s30+$0xFFFFFFF0], $0xff;
	_ =	sdelay $0x4  }
0xfa: {  	v3 =	vshll.u32 v2, $0x4  }
0xfb: {  	v2 =	vand.u32 $0x7, v2;
	v3 =	vand.u32 $0xFFFFFF80, v3  }
0xfc: {  	v2 =	vor.u32 v2, v3  }
0xfd: {  	v2 =	vperm.xlane v2, v0;
	_ =	sdelay $0x1  }
0xfe: {  	v2 =	vadd.s32 v1, v2;
	_ =	sdelay $0x4  }
0xff: {  	[tilespmem:s13], [sflag:$0x4] =	stream.indirect_vreg.gather [hbm4b:s2+s3], $0x80, v2, vm0, $0xb8;
	[tilespmem:$0x18400] =	vst v63  }
0x100: {  	_ = 	snop  }
0x101: {  	[tilespmem:s18], [sflag:$0x4] =	stream.indirect_vreg.gather [hbm4b:s5+s3], $0x80, v2, vm0, $0xb8;
	[tilespmem:$0x18400] =	vst v63  }
0x102: {  	s26 =	simm.s32 $0xD400  }
0x103: {  	[tilespmem:s26], [sflag:$0x4] =	stream.indirect_vreg.gather [hbm4b:s6+s3], $0x80, v2, vm0, $0xb8;
	[tilespmem:$0x18400] =	vst v63  }
0x104: {  	s1 =	simm.s32 $0xDC00  }
0x105: {  	[tilespmem:s1], [sflag:$0x4] =	stream.indirect_vreg.gather [hbm4b:s7+s3], $0x80, v2, vm0, $0xb8;
	[tilespmem:$0x18400] =	vst v63  }
0x106: {  	s1 =	simm.s32 $0xE400  }
0x107: {  	[tilespmem:s1], [sflag:$0x4] =	stream.indirect_vreg.gather [hbm4b:s8+s3], $0x80, v2, vm0, $0xb8;
	[tilespmem:$0x18400] =	vst v63  }
0x108: {  	s1 =	simm.s32 $0xEC00  }
0x109: {  	[tilespmem:s1], [sflag:$0x4] =	stream.indirect_vreg.gather [hbm4b:s9+s3], $0x80, v2, vm0, $0xb8;
	[tilespmem:$0x18400] =	vst v63  }
0x10a: {  	s1 =	simm.s32 $0xF400  }
0x10b: {  	[tilespmem:s1], [sflag:$0x4] =	stream.indirect_vreg.gather [hbm4b:s10+s3], $0x80, v2, vm0, $0xb8;
	[tilespmem:$0x18400] =	vst v63  }
0x10c: {  	s1 =	simm.s32 $0xFC00  }
0x10d: {  	[tilespmem:s1], [sflag:$0x4] =	stream.indirect_vreg.gather [hbm4b:s11+s3], $0x80, v2, vm0, $0xb8;
	[tilespmem:$0x18400] =	vst v63  }
0x10e: {  	_ =	swait.ge [sflag:s19], $0x8000  }
0x10f: {  	[sflag:s19] =	ssyncset.done $0x0  }
0x110: {  	[sflag:s19] =	ssyncadd.s32 $0xFFFF8000  }
0x111: {  	v2 =	vld.msk [tilespmem:s30+$0xFFFFFFF8], $0xff;
	_ =	sdelay $0x4  }
0x112: {  	v3 =	vshll.u32 v2, $0x4  }
0x113: {  	v2 =	vand.u32 $0x7, v2;
	v3 =	vand.u32 $0xFFFFFF80, v3  }
0x114: {  	v2 =	vor.u32 v2, v3  }
0x115: {  	v2 =	vperm.xlane v2, v0;
	_ =	sdelay $0x1  }
0x116: {  	v2 =	vadd.s32 v1, v2;
	_ =	sdelay $0x4  }
0x117: {  	[tilespmem:s22], [sflag:$0x5] =	stream.indirect_vreg.gather [hbm4b:s2+s3], $0x80, v2, vm0, $0xb8;
	[tilespmem:$0x18400] =	vst v63  }
0x118: {  	s22 =	simm.s32 $0x10C00  }
0x119: {  	[tilespmem:s22], [sflag:$0x5] =	stream.indirect_vreg.gather [hbm4b:s5+s3], $0x80, v2, vm0, $0xb8;
	[tilespmem:$0x18400] =	vst v63  }
0x11a: {  	s22 =	simm.s32 $0x11400  }
0x11b: {  	[tilespmem:s22], [sflag:$0x5] =	stream.indirect_vreg.gather [hbm4b:s6+s3], $0x80, v2, vm0, $0xb8;
	[tilespmem:$0x18400] =	vst v63  }
0x11c: {  	s22 =	simm.s32 $0x11C00  }
0x11d: {  	[tilespmem:s22], [sflag:$0x5] =	stream.indirect_vreg.gather [hbm4b:s7+s3], $0x80, v2, vm0, $0xb8;
	[tilespmem:$0x18400] =	vst v63  }
0x11e: {  	s22 =	simm.s32 $0x12400  }
0x11f: {  	[tilespmem:s22], [sflag:$0x5] =	stream.indirect_vreg.gather [hbm4b:s8+s3], $0x80, v2, vm0, $0xb8;
	[tilespmem:$0x18400] =	vst v63  }
0x120: {  	s22 =	simm.s32 $0x12C00  }
0x121: {  	[tilespmem:s22], [sflag:$0x5] =	stream.indirect_vreg.gather [hbm4b:s9+s3], $0x80, v2, vm0, $0xb8;
	[tilespmem:$0x18400] =	vst v63  }
0x122: {  	s22 =	simm.s32 $0x13400  }
0x123: {  	[tilespmem:s22], [sflag:$0x5] =	stream.indirect_vreg.gather [hbm4b:s10+s3], $0x80, v2, vm0, $0xb8;
	[tilespmem:$0x18400] =	vst v63  }
0x124: {  	s22 =	simm.s32 $0x13C00  }
0x125: {  	[tilespmem:s22], [sflag:$0x5] =	stream.indirect_vreg.gather [hbm4b:s11+s3], $0x80, v2, vm0, $0xb8;
	[tilespmem:$0x18400] =	vst v63  }
0x126: {  	v2 =	vld.msk [tilespmem:s30+$0x0], $0xff;
	_ =	sdelay $0x4  }
0x127: {  	v3 =	vshll.u32 v2, $0x4  }
0x128: {  	v2 =	vand.u32 $0x7, v2;
	v3 =	vand.u32 $0xFFFFFF80, v3  }
0x129: {  	v2 =	vor.u32 v2, v3  }
0x12a: {  	v2 =	vperm.xlane v2, v0;
	_ =	sdelay $0x1  }
0x12b: {  	v2 =	vadd.s32 v1, v2;
	_ =	sdelay $0x3  }
0x12c: {  	s22 =	simm.s32 $0x14400  }
0x12d: {  	[tilespmem:s22], [sflag:$0x6] =	stream.indirect_vreg.gather [hbm4b:s2+s3], $0x80, v2, vm0, $0xb8;
	[tilespmem:$0x18400] =	vst v63  }
0x12e: {  	s22 =	simm.s32 $0x14C00  }
0x12f: {  	[tilespmem:s22], [sflag:$0x6] =	stream.indirect_vreg.gather [hbm4b:s5+s3], $0x80, v2, vm0, $0xb8;
	[tilespmem:$0x18400] =	vst v63  }
0x130: {  	s22 =	simm.s32 $0x15400  }
0x131: {  	[tilespmem:s22], [sflag:$0x6] =	stream.indirect_vreg.gather [hbm4b:s6+s3], $0x80, v2, vm0, $0xb8;
	[tilespmem:$0x18400] =	vst v63  }
0x132: {  	s22 =	simm.s32 $0x15C00  }
0x133: {  	[tilespmem:s22], [sflag:$0x6] =	stream.indirect_vreg.gather [hbm4b:s7+s3], $0x80, v2, vm0, $0xb8;
	[tilespmem:$0x18400] =	vst v63  }
0x134: {  	s22 =	simm.s32 $0x16400  }
0x135: {  	[tilespmem:s22], [sflag:$0x6] =	stream.indirect_vreg.gather [hbm4b:s8+s3], $0x80, v2, vm0, $0xb8;
	[tilespmem:$0x18400] =	vst v63  }
0x136: {  	p0 =	sne.s32 s20, $0x39000  }
0x137: {  	[tilespmem:s0], [sflag:$0x6] =	stream.indirect_vreg.gather [hbm4b:s9+s3], $0x80, v2, vm0, $0xb8;
	[tilespmem:$0x18400] =	vst v63  }
.Ltmp0:
0x138: {  	_ = 	snop;
	(pc) =	sbr.rel @p0 .LBB2_2-.Ltmp0, $4  }
0x139: {  	s20 =	sadd.s32 $0x3000, s20  }
0x13a: {  	[tilespmem:s23], [sflag:$0x6] =	stream.indirect_vreg.gather [hbm4b:s10+s3], $0x80, v2, vm0, $0xb8;
	[tilespmem:$0x18400] =	vst v63  }
0x13b: {  	s12 =	simm.s32 $0x8400;
	s1 =	simm.s32 $0x10400;
	s30 =	sadd.s32 $0x30, s30  }
0x13c: {  	[tilespmem:s4], [sflag:$0x6] =	stream.indirect_vreg.gather [hbm4b:s11+s3], $0x80, v2, vm0, $0xb8;
	[tilespmem:$0x18400] =	vst v63  }
0x13d: {  	_ =	swait.ge [sflag:s24], $0x4000  }
0x13e: {  	[sflag:s24] =	ssyncset.done $0x0  }
0x13f: {  	[sflag:s24] =	ssyncadd.s32 $0xFFFFC000  }
0x140: {  	_ =	swait.ge [sflag:s14], $0x4000  }
0x141: {  	[sflag:s14] =	ssyncset.done $0x0  }
0x142: {  	s0 =	simm.s32 $0x400;
	s20 =	rddreg [dreg:$0x6];
	[sflag:s14] =	ssyncadd.s32 $0xFFFFC000  }
0x143: {  	[hbm4b:s20+s3] =	stream.linear.scatter [tilespmem:s0], [sflag:$0x7], $0x8000, $0x38;
	[tilespmem:$0x18400] =	vst v63  }
0x144: {  	_ =	swait.ge [sflag:s17], $0x8000  }
0x145: {  	[sflag:s17] =	ssyncset.done $0x0  }
0x146: {  	[sflag:s17] =	ssyncadd.s32 $0xFFFF8000  }
0x147: {  	v2 =	vld.msk [tilespmem:$0x3F0], $0xff;
	_ =	sdelay $0x4  }
0x148: {  	v3 =	vshll.u32 v2, $0x4  }
0x149: {  	v2 =	vand.u32 $0x7, v2;
	v3 =	vand.u32 $0xFFFFFF80, v3  }
0x14a: {  	v2 =	vor.u32 v2, v3  }
0x14b: {  	v2 =	vperm.xlane v2, v0;
	_ =	sdelay $0x1  }
0x14c: {  	v2 =	vadd.s32 v1, v2;
	_ =	sdelay $0x4  }
0x14d: {  	[tilespmem:s0], [sflag:$0x1] =	stream.indirect_vreg.gather [hbm4b:s2+s3], $0x80, v2, vm0, $0xb8;
	[tilespmem:$0x18400] =	vst v63  }
0x14e: {  	s4 =	simm.s32 $0xC00  }
0x14f: {  	[tilespmem:s4], [sflag:$0x1] =	stream.indirect_vreg.gather [hbm4b:s5+s3], $0x80, v2, vm0, $0xb8;
	[tilespmem:$0x18400] =	vst v63  }
0x150: {  	s13 =	simm.s32 $0x1400  }
0x151: {  	[tilespmem:s13], [sflag:$0x1] =	stream.indirect_vreg.gather [hbm4b:s6+s3], $0x80, v2, vm0, $0xb8;
	[tilespmem:$0x18400] =	vst v63  }
0x152: {  	s18 =	simm.s32 $0x1C00  }
0x153: {  	[tilespmem:s18], [sflag:$0x1] =	stream.indirect_vreg.gather [hbm4b:s7+s3], $0x80, v2, vm0, $0xb8;
	[tilespmem:$0x18400] =	vst v63  }
0x154: {  	s22 =	simm.s32 $0x2400  }
0x155: {  	[tilespmem:s22], [sflag:$0x1] =	stream.indirect_vreg.gather [hbm4b:s8+s3], $0x80, v2, vm0, $0xb8;
	[tilespmem:$0x18400] =	vst v63  }
0x156: {  	s23 =	simm.s32 $0x2C00  }
0x157: {  	[tilespmem:s23], [sflag:$0x1] =	stream.indirect_vreg.gather [hbm4b:s9+s3], $0x80, v2, vm0, $0xb8;
	[tilespmem:$0x18400] =	vst v63  }
0x158: {  	s4 =	simm.s32 $0x3400  }
0x159: {  	[tilespmem:s4], [sflag:$0x1] =	stream.indirect_vreg.gather [hbm4b:s10+s3], $0x80, v2, vm0, $0xb8;
	[tilespmem:$0x18400] =	vst v63  }
0x15a: {  	s13 =	simm.s32 $0x3C00  }
0x15b: {  	[tilespmem:s13], [sflag:$0x1] =	stream.indirect_vreg.gather [hbm4b:s11+s3], $0x80, v2, vm0, $0xb8;
	[tilespmem:$0x18400] =	vst v63  }
0x15c: {  	v2 =	vld.msk [tilespmem:$0x3F8], $0xff;
	_ =	sdelay $0x4  }
0x15d: {  	v3 =	vshll.u32 v2, $0x4  }
0x15e: {  	v2 =	vand.u32 $0x7, v2;
	v3 =	vand.u32 $0xFFFFFF80, v3  }
0x15f: {  	v2 =	vor.u32 v2, v3  }
0x160: {  	v2 =	vperm.xlane v2, v0;
	_ =	sdelay $0x1  }
0x161: {  	v2 =	vadd.s32 v1, v2;
	_ =	sdelay $0x3  }
0x162: {  	s18 =	simm.s32 $0x4400  }
0x163: {  	[tilespmem:s18], [sflag:$0x2] =	stream.indirect_vreg.gather [hbm4b:s2+s3], $0x80, v2, vm0, $0xb8;
	[tilespmem:$0x18400] =	vst v63  }
0x164: {  	s22 =	simm.s32 $0x4C00  }
0x165: {  	[tilespmem:s22], [sflag:$0x2] =	stream.indirect_vreg.gather [hbm4b:s5+s3], $0x80, v2, vm0, $0xb8;
	[tilespmem:$0x18400] =	vst v63  }
0x166: {  	s23 =	simm.s32 $0x5400  }
0x167: {  	[tilespmem:s23], [sflag:$0x2] =	stream.indirect_vreg.gather [hbm4b:s6+s3], $0x80, v2, vm0, $0xb8;
	[tilespmem:$0x18400] =	vst v63  }
0x168: {  	s4 =	simm.s32 $0x5C00  }
0x169: {  	[tilespmem:s4], [sflag:$0x2] =	stream.indirect_vreg.gather [hbm4b:s7+s3], $0x80, v2, vm0, $0xb8;
	[tilespmem:$0x18400] =	vst v63  }
0x16a: {  	s13 =	simm.s32 $0x6400  }
0x16b: {  	[tilespmem:s13], [sflag:$0x2] =	stream.indirect_vreg.gather [hbm4b:s8+s3], $0x80, v2, vm0, $0xb8;
	[tilespmem:$0x18400] =	vst v63  }
0x16c: {  	s18 =	simm.s32 $0x6C00  }
0x16d: {  	[tilespmem:s18], [sflag:$0x2] =	stream.indirect_vreg.gather [hbm4b:s9+s3], $0x80, v2, vm0, $0xb8;
	[tilespmem:$0x18400] =	vst v63  }
0x16e: {  	s22 =	simm.s32 $0x7400  }
0x16f: {  	[tilespmem:s22], [sflag:$0x2] =	stream.indirect_vreg.gather [hbm4b:s10+s3], $0x80, v2, vm0, $0xb8;
	[tilespmem:$0x18400] =	vst v63  }
0x170: {  	s23 =	simm.s32 $0x7C00  }
0x171: {  	[tilespmem:s23], [sflag:$0x2] =	stream.indirect_vreg.gather [hbm4b:s11+s3], $0x80, v2, vm0, $0xb8;
	[tilespmem:$0x18400] =	vst v63  }
0x172: {  	_ =	swait.ge [sflag:s25], $0x4000  }
0x173: {  	[sflag:s25] =	ssyncset.done $0x0  }
0x174: {  	[sflag:s25] =	ssyncadd.s32 $0xFFFFC000  }
0x175: {  	_ =	swait.ge [sflag:s15], $0x4000  }
0x176: {  	[sflag:s15] =	ssyncset.done $0x0  }
0x177: {  	s4 =	rddreg [dreg:$0x7];
	[sflag:s15] =	ssyncadd.s32 $0xFFFFC000  }
0x178: {  	[hbm4b:s4+s3] =	stream.linear.scatter [tilespmem:s12], [sflag:$0x8], $0x8000, $0x38;
	[tilespmem:$0x18400] =	vst v63  }
0x179: {  	_ =	swait.ge [sflag:s16], $0x4000  }
0x17a: {  	[sflag:s16] =	ssyncset.done $0x0  }
0x17b: {  	[sflag:s16] =	ssyncadd.s32 $0xFFFFC000  }
0x17c: {  	_ =	swait.ge [sflag:s28], $0x4000  }
0x17d: {  	[sflag:s28] =	ssyncset.done $0x0  }
0x17e: {  	s13 =	rddreg [dreg:$0x8];
	[sflag:s28] =	ssyncadd.s32 $0xFFFFC000  }
0x17f: {  	[hbm4b:s13+s3] =	stream.linear.scatter [tilespmem:s1], [sflag:$0x9], $0x8000, $0x38;
	[tilespmem:$0x18400] =	vst v63  }
0x180: {  	_ =	swait.ge [sflag:s24], $0x4000  }
0x181: {  	[sflag:s24] =	ssyncset.done $0x0  }
0x182: {  	[sflag:s24] =	ssyncadd.s32 $0xFFFFC000  }
0x183: {  	_ =	swait.ge [sflag:s14], $0x4000  }
0x184: {  	[sflag:s14] =	ssyncset.done $0x0  }
0x185: {  	s18 =	rddreg [dreg:$0x9];
	[sflag:s14] =	ssyncadd.s32 $0xFFFFC000  }
0x186: {  	[hbm4b:s18+s3] =	stream.linear.scatter [tilespmem:s0], [sflag:$0x7], $0x8000, $0x38;
	[tilespmem:$0x18400] =	vst v63  }
0x187: {  	_ =	swait.ge [sflag:s29], $0x8000  }
0x188: {  	[sflag:s29] =	ssyncset.done $0x0  }
0x189: {  	[sflag:s29] =	ssyncadd.s32 $0xFFFF8000  }
0x18a: {  	_ =	swait.ge [sflag:s19], $0x8000  }
0x18b: {  	[sflag:s19] =	ssyncset.done $0x0  }
0x18c: {  	[sflag:s19] =	ssyncadd.s32 $0xFFFF8000  }
0x18d: {  	_ =	swait.ge [sflag:s17], $0x8000  }
0x18e: {  	s22 =	rddreg [dreg:$0xb]  }
0x18f: {  	s23 =	rddreg [dreg:$0xa];
	s0 =	sadd.s32 $0x1, s22  }
0x190: {  	p0 =	sne.s32 s0, s23  }
.Ltmp1:
0x191: {  	_ = 	snop;
	(pc) =	sbr.rel @p0 .LBB2_1-.Ltmp1, $4  }
0x192: {  	s30 =	simm.s32 $0x400  }
0x193: {  	s4 =	simm.s32 $0xBC00;
	s13 =	simm.s32 $0xC400;
	[sflag:s17] =	ssyncset.done $0x0  }
0x194: {  	s18 =	simm.s32 $0x9C00;
	[sflag:s17] =	ssyncadd.s32 $0xFFFF8000;
	s22 =	simm.s32 $0xA400  }
0x195: {  	[dreg:$0xb] =	wrdreg s0;
	s0 =	simm.s32 $0xAC00;
	s23 =	simm.s32 $0xB400  }
0x196: {  	_ =	sfence.sel $0x180000  }
0x197: {  	[bflag:$0x0] =	sbarrier.arrive $0xFFFF  }
0x198: {  	_ =	strace $0x90000047  }
0x199: {  	s0 =	stileid.u32;
	[bflag:$0x2] =	sbarrier.arrive $0xFFFF  }
0x19a: {  	p0 =	sne.s32 s0, $0x0;
	s0 =	rddreg [dreg:$0x3]  }
0x19b: {  	s0 =	sadd.s32 @!p0 $0x100000, s0  }
0x19c: {  	[sflag:s0] =	ssyncadd.tile.s32 @!p0 $0x1;
	_ =	shalt  }
.Lfunc_end2:
_tile_overlayer_lowered:
.L_overlay_start_2:
0x19d: {  	(tag) =	ssettag $0x2  }
0x19e: {  	s0 =	rddreg [dreg:$0x0];
	s2 =	stileid.u32  }
0x19f: {  	s1 =	rddreg [dreg:$0x1];
	p0 =	sne.s32 s2, $0x0  }
0x1a0: {  	s3 =	rddreg [dreg:$0x2];
	[bflag:$0x3] =	sbarrier.arrive $0xFFFF;
	s2 =	simm.s32 @!p0 $0x1C0A  }
0x1a1: {  	[timem:s3], [sflag:s2] =	dma.local @!p0 [hbm:s0], s1  }
0x1a2: {  	s0 =	simm.s32 @!p0 $0xA  }
0x1a3: {  	_ =	swait.ge @!p0 [sflag:s0], s1  }
0x1a4: {  	s1 =	ssub.s32 @!p0 $0x0, s1;
	[sflag:s0] =	ssyncset.done @!p0 $0x0  }
0x1a5: {  	[sflag:s0] =	ssyncadd.s32 @!p0 s1  }
0x1a6: {  	[bflag:$0x3] =	sbarrier.arrive $0xFFFF  }
0x1a7: {  	_ =	shalt  }

</sc_bundles>
